<compile_context>
chip_gen: v7x
topology: tpu7x:2x2x1
jax: 0.10.2.dev20260603
libtpu: 0.0.44.dev20260713+nightly
codegen_flags: <defaults>
</compile_context>

<pallas_src>
import functools

import jax
import jax.numpy as jnp
from jax import lax
from jax.experimental import pallas as pl
from jax.experimental.pallas import tpu as pltpu
from jax.experimental.pallas import tpu_sc as plsc

N = 10000
E = 320000
D = 128

NC = 2
NS = 16
EB = 128
NBT = E // EB
NW = NC * NS
NBW = NBT // NW
NXTRA = NBT - NBW * NW
ROWS_PER_SUB = 624
TAIL_START = ROWS_PER_SUB * NS
TAIL_ROWS = N - TAIL_START
NBUF = 3
NI = 2 * NBUF
GRP = NI
NGRP = NBW // GRP
TAILJ = NGRP * GRP


def _relu_body(x_ref, h_ref, z_ref):
    h_ref[...] = jnp.maximum(x_ref[...], 0.0)
    z_ref[...] = jnp.zeros_like(z_ref)


def _final_body(h_ref, p_ref, w_ref, b_ref, g_ref, be_ref, o_ref):
    pre = h_ref[...] + p_ref[0] + p_ref[1]
    out = jnp.dot(pre, w_ref[...].T, preferred_element_type=jnp.float32)
    out = out + b_ref[...]
    mean = jnp.mean(out, axis=0, keepdims=True)
    var = jnp.mean((out - mean) ** 2, axis=0, keepdims=True)
    o_ref[...] = (out - mean) * lax.rsqrt(var + 1e-5) * g_ref[...] + be_ref[...]


def _sc_segment_sum(h, eflat, zeros):
    mesh = plsc.VectorSubcoreMesh(core_axis_name="c", subcore_axis_name="s")

    @functools.partial(
        pl.kernel,
        out_type=jax.ShapeDtypeStruct((NC, N, D), jnp.float32),
        mesh=mesh,
        scratch_types=[
            pltpu.VMEM((NI, 2, EB), jnp.int32),
            pltpu.VMEM((NBUF, EB, D), jnp.float32),
            pltpu.VMEM_SHARED((N, D), jnp.float32),
            [pltpu.SemaphoreType.DMA] * NI,
            [pltpu.SemaphoreType.DMA] * NBUF,
            pltpu.SemaphoreType.DMA,
        ],
    )
    def seg_sum(h_hbm, eidx_hbm, zeros_hbm, out_hbm,
                idx_v, rows_v, agg_sh, isems, gsems, zsem):
        c = lax.axis_index("c")
        s = lax.axis_index("s")
        w = c * NS + s
        b0 = w * NBW + jnp.minimum(w, NXTRA)
        nbw = NBW + jnp.where(w < NXTRA, 1, 0)
        pltpu.async_copy(zeros_hbm.at[pl.ds(s * ROWS_PER_SUB, ROWS_PER_SUB)],
                         agg_sh.at[pl.ds(s * ROWS_PER_SUB, ROWS_PER_SUB)],
                         zsem)

        @pl.when(s == NS - 1)
        def _zero_tail():
            pltpu.async_copy(zeros_hbm.at[pl.ds(TAIL_START, TAIL_ROWS)],
                             agg_sh.at[pl.ds(TAIL_START, TAIL_ROWS)], zsem)

        def start_idx(j, islot):
            off = (b0 + j) * EB
            pltpu.async_copy(eidx_hbm.at[pl.ds(off, EB)],
                             idx_v.at[islot, 0], isems[islot])
            pltpu.async_copy(eidx_hbm.at[pl.ds(E + off, EB)],
                             idx_v.at[islot, 1], isems[islot])

        def start_gather(islot, buf):
            return pltpu.async_copy(h_hbm.at[idx_v.at[islot, 0]],
                                    rows_v.at[buf], gsems[buf])

        def wait_idx(j, islot):
            off = (b0 + j) * EB
            pltpu.make_async_copy(eidx_hbm.at[pl.ds(off, EB)],
                                  idx_v.at[islot, 0], isems[islot]).wait()
            pltpu.make_async_copy(eidx_hbm.at[pl.ds(E + off, EB)],
                                  idx_v.at[islot, 1], isems[islot]).wait()

        def wait_gather(islot, buf):
            pltpu.make_async_copy(h_hbm.at[idx_v.at[islot, 0]],
                                  rows_v.at[buf], gsems[buf]).wait()

        def scatter(islot, buf):
            pltpu.sync_copy(rows_v.at[buf], agg_sh.at[idx_v.at[islot, 1]],
                            add=True)

        for k in range(NI):
            start_idx(k, k)
        for k in range(NBUF):
            wait_idx(k, k)
            start_gather(k, k)

        pltpu.make_async_copy(
            zeros_hbm.at[pl.ds(s * ROWS_PER_SUB, ROWS_PER_SUB)],
            agg_sh.at[pl.ds(s * ROWS_PER_SUB, ROWS_PER_SUB)], zsem).wait()

        @pl.when(s == NS - 1)
        def _zero_tail_wait():
            pltpu.make_async_copy(zeros_hbm.at[pl.ds(TAIL_START, TAIL_ROWS)],
                                  agg_sh.at[pl.ds(TAIL_START, TAIL_ROWS)],
                                  zsem).wait()
        plsc.subcore_barrier()

        def body(g, carry):
            j0 = g * GRP
            for k in range(GRP):
                j = j0 + k
                buf = k % NBUF
                wait_gather(k, buf)
                scatter(k, buf)

                @pl.when(j + NI < nbw)
                def _prefetch_idx():
                    start_idx(j + NI, k)

                @pl.when(j + NBUF < nbw)
                def _refill():
                    kn = (k + NBUF) % NI
                    wait_idx(j + NBUF, kn)
                    start_gather(kn, buf)
            return carry

        lax.fori_loop(0, NGRP, body, 0, unroll=False)

        for j in range(TAILJ, TAILJ + (1 if NXTRA else 0)):
            k = j % NI
            buf = j % NBUF

            @pl.when(w < NXTRA)
            def _extra():
                wait_gather(k, buf)
                scatter(k, buf)

        plsc.subcore_barrier()
        pltpu.sync_copy(agg_sh.at[pl.ds(s * ROWS_PER_SUB, ROWS_PER_SUB)],
                        out_hbm.at[c, pl.ds(s * ROWS_PER_SUB, ROWS_PER_SUB)])

        @pl.when(s == NS - 1)
        def _flush_tail():
            pltpu.sync_copy(agg_sh.at[pl.ds(TAIL_START, TAIL_ROWS)],
                            out_hbm.at[c, pl.ds(TAIL_START, TAIL_ROWS)])

    return seg_sum(h, eflat, zeros)


def kernel(x, edge_index, W, b, gamma, beta):
    h, zeros = pl.pallas_call(
        _relu_body,
        out_shape=[jax.ShapeDtypeStruct((N, D), jnp.float32),
                   jax.ShapeDtypeStruct((N, D), jnp.float32)],
    )(x)

    eflat = edge_index.reshape(2 * E)
    parts = _sc_segment_sum(h, eflat, zeros)

    out = pl.pallas_call(
        _final_body,
        out_shape=jax.ShapeDtypeStruct((N, D), jnp.float32),
    )(h, parts, W, b.reshape(1, D), gamma.reshape(1, D), beta.reshape(1, D))
    return out

# --- scband reference (transcript-rebuilt; emitter-appended) ---
"""Pipeline reference for scband-graph-function-41910290874470 (READ-ONLY COPY).

The authoritative reference and input builder live on the scoring server;
editing this copy changes nothing except your own understanding.
"""

import jax, jax.numpy as jnp
import numpy as np

N = 10000
E = 320000
D = 128

def setup_inputs(seed: int = 0) -> dict:
    key = jax.random.key(seed)
    k1, k2, k3, k4, k5, k6 = jax.random.split(key, 6)
    x = jax.random.normal(k1, (N, D), dtype=jnp.float32)
    edge_index = jax.random.randint(k2, (2, E), 0, N, dtype=jnp.int32)
    # GINConv nn = Linear(D, D)
    W = jax.random.normal(k3, (D, D), dtype=jnp.float32) * (1.0 / np.sqrt(D))
    b = jax.random.normal(k4, (D,), dtype=jnp.float32) * 0.01
    # BatchNorm1d affine params
    gamma = jnp.ones((D,), dtype=jnp.float32)
    beta = jnp.zeros((D,), dtype=jnp.float32)
    return {"x": x, "edge_index": edge_index, "W": W, "b": b, "gamma": gamma, "beta": beta}

def reference(x, edge_index, W, b, gamma, beta):
    # forward: norm(gin_conv(relu(x), edge_index))
    h = jax.nn.relu(x)
    src = edge_index[0]
    dst = edge_index[1]
    # GINConv sum aggregation of neighbor messages (flow source->target)
    agg = jax.ops.segment_sum(h[src], dst, num_segments=h.shape[0])
    # GIN: nn((1 + eps) * x + sum_j x_j), eps = 0
    pre = h + agg
    out = pre @ W.T + b
    # BatchNorm1d in training mode: batch statistics, biased variance, eps=1e-5
    mean = jnp.mean(out, axis=0)
    var = jnp.var(out, axis=0)
    out = (out - mean) / jnp.sqrt(var + 1e-5) * gamma + beta
    return out

if __name__ == "__main__":
    import jax
    _d = setup_inputs()
    print(jax.jit(kernel)(*tuple(_d.values())))

</pallas_src>

<mosaic_0001>
#map = affine_map<(d0, d1) -> (0, 0)>
#map1 = affine_map<(d0, d1) -> (0)>
#map2 = affine_map<(d0, d1) -> (0, 0, 0)>
module attributes {stable_mosaic.version = 14 : i64} {
  func.func @seg_sum(%arg0: i32, %arg1: i32, %arg2: memref<10000x128xf32, #tpu.memory_space<hbm>>, %arg3: memref<640000xi32, #tpu.memory_space<hbm>>, %arg4: memref<10000x128xf32, #tpu.memory_space<hbm>>, %arg5: memref<2x10000x128xf32, #tpu.memory_space<hbm>>, %arg6: memref<6x2x128xi32, #tpu.memory_space<vmem>>, %arg7: memref<3x128x128xf32, #tpu.memory_space<vmem>>, %arg8: memref<10000x128xf32, #tpu.memory_space<vmem_shared>>, %arg9: memref<!tpu.dma_semaphore, #tpu.memory_space<semaphore_mem>>, %arg10: memref<!tpu.dma_semaphore, #tpu.memory_space<semaphore_mem>>, %arg11: memref<!tpu.dma_semaphore, #tpu.memory_space<semaphore_mem>>, %arg12: memref<!tpu.dma_semaphore, #tpu.memory_space<semaphore_mem>>, %arg13: memref<!tpu.dma_semaphore, #tpu.memory_space<semaphore_mem>>, %arg14: memref<!tpu.dma_semaphore, #tpu.memory_space<semaphore_mem>>, %arg15: memref<!tpu.dma_semaphore, #tpu.memory_space<semaphore_mem>>, %arg16: memref<!tpu.dma_semaphore, #tpu.memory_space<semaphore_mem>>, %arg17: memref<!tpu.dma_semaphore, #tpu.memory_space<semaphore_mem>>, %arg18: memref<!tpu.dma_semaphore, #tpu.memory_space<semaphore_mem>>) attributes {dimension_semantics = [#tpu.dimension_semantics<core_parallel>, #tpu.dimension_semantics<subcore_parallel>], iteration_bounds = array<i64: 2, 16>, scalar_prefetch = 0 : i64, scratch_operands = 13 : i64, tpu.core_type = #tpu.core_type<sc_vector_subcore>, window_params = [{transform_indices = #map}, {transform_indices = #map1}, {transform_indices = #map}, {transform_indices = #map2}]} {
    %mul3A = arith.constant 16 : i32
    %mul3A_0 = arith.muli %arg0, %mul3A : i32
    %add3A = arith.addi %mul3A_0, %arg1 : i32
    %mul3A_1 = arith.constant 78 : i32
    %mul3A_2 = arith.muli %add3A, %mul3A_1 : i32
    %min3A = arith.constant 4 : i32
    %min3A_3 = arith.minsi %add3A, %min3A : i32
    %add3A_4 = arith.addi %mul3A_2, %min3A_3 : i32
    %lt3A = arith.constant 4 : i32
    %lt3A_5 = arith.cmpi slt, %add3A, %lt3A : i32
    %jit3A = arith.constant 1 : i32
    %jit3A_6 = arith.constant 0 : i32
    %select_n3A = arith.select %lt3A_5, %jit3A, %jit3A_6 : i32
    %add3A_7 = arith.constant 78 : i32
    %add3A_8 = arith.addi %add3A_7, %select_n3A : i32
    %mul3A_9 = arith.constant 624 : i32
    %mul3A_10 = arith.muli %arg1, %mul3A_9 : i32
    %mul3A_11 = arith.constant 624 : i32
    %mul3A_12 = arith.muli %arg1, %mul3A_11 : i32
    %dma_start3A = arith.constant 0 : i32
    %dma_start3A_13 = tpu.memref_slice %arg8[%mul3A_12, %dma_start3A] : memref<10000x128xf32, #tpu.memory_space<vmem_shared>> -> memref<624x128xf32, #tpu.memory_space<vmem_shared>>
    %dma_start3A_14 = arith.constant 0 : i32
    %dma_start3A_15 = tpu.memref_slice %arg4[%mul3A_10, %dma_start3A_14] : memref<10000x128xf32, #tpu.memory_space<hbm>> -> memref<624x128xf32, #tpu.memory_space<hbm>>
    tpu.enqueue_dma source(%dma_start3A_15 : memref<624x128xf32, #tpu.memory_space<hbm>>) target(%dma_start3A_13 : memref<624x128xf32, #tpu.memory_space<vmem_shared>>) target_semaphore(%arg18 : memref<!tpu.dma_semaphore, #tpu.memory_space<semaphore_mem>>)
    %eq3A = arith.constant 15 : i32
    %eq3A_16 = arith.cmpi eq, %arg1, %eq3A : i32
    %convert_element_type3A = arith.extui %eq3A_16 : i1 to i32
    %cond3A = arith.constant 0 : i32
    %cond3A_17 = arith.cmpi ne, %convert_element_type3A, %cond3A : i32
    scf.if %cond3A_17 {
      %dma_start3A_323 = arith.constant 9984 : i32
      %dma_start3A_324 = arith.constant 0 : i32
      %dma_start3A_325 = tpu.memref_slice %arg8[%dma_start3A_323, %dma_start3A_324] : memref<10000x128xf32, #tpu.memory_space<vmem_shared>> -> memref<16x128xf32, #tpu.memory_space<vmem_shared>>
      %dma_start3A_326 = arith.constant 9984 : i32
      %dma_start3A_327 = arith.constant 0 : i32
      %dma_start3A_328 = tpu.memref_slice %arg4[%dma_start3A_326, %dma_start3A_327] : memref<10000x128xf32, #tpu.memory_space<hbm>> -> memref<16x128xf32, #tpu.memory_space<hbm>>
      tpu.enqueue_dma source(%dma_start3A_328 : memref<16x128xf32, #tpu.memory_space<hbm>>) target(%dma_start3A_325 : memref<16x128xf32, #tpu.memory_space<vmem_shared>>) target_semaphore(%arg18 : memref<!tpu.dma_semaphore, #tpu.memory_space<semaphore_mem>>)
    } else {
    }
    %add3A_18 = arith.constant 0 : i32
    %add3A_19 = arith.addi %add3A_4, %add3A_18 : i32
    %mul3A_20 = arith.constant 128 : i32
    %mul3A_21 = arith.muli %add3A_19, %mul3A_20 : i32
    %dma_start3A_22 = arith.constant 0 : i32
    %dma_start3A_23 = arith.constant 0 : i32
    %dma_start3A_24 = arith.constant 0 : i32
    %dma_start3A_25 = tpu.memref_slice %arg6[%dma_start3A_22, %dma_start3A_23, %dma_start3A_24] : memref<6x2x128xi32, #tpu.memory_space<vmem>> -> memref<1x1x128xi32, #tpu.memory_space<vmem>>
    %dma_start3A_26 = tpu.memref_squeeze %dma_start3A_25 : memref<1x1x128xi32, #tpu.memory_space<vmem>> -> memref<128xi32, #tpu.memory_space<vmem>>
    %dma_start3A_27 = tpu.memref_slice %arg3[%mul3A_21] : memref<640000xi32, #tpu.memory_space<hbm>> -> memref<128xi32, #tpu.memory_space<hbm>>
    %dma_start3A_28 = arith.constant 0 : i32
    %dma_start3A_29 = tpu.memref_slice %arg6[%dma_start3A_22, %dma_start3A_23, %dma_start3A_28] : memref<6x2x128xi32, #tpu.memory_space<vmem>> -> memref<1x1x128xi32, #tpu.memory_space<vmem>>
    %dma_start3A_30 = tpu.memref_squeeze %dma_start3A_29 : memref<1x1x128xi32, #tpu.memory_space<vmem>> -> memref<128xi32, #tpu.memory_space<vmem>>
    %dma_start3A_31 = tpu.memref_slice %arg3[%mul3A_21] : memref<640000xi32, #tpu.memory_space<hbm>> -> memref<128xi32, #tpu.memory_space<hbm>>
    tpu.enqueue_dma source(%dma_start3A_31 : memref<128xi32, #tpu.memory_space<hbm>>) target(%dma_start3A_30 : memref<128xi32, #tpu.memory_space<vmem>>) target_semaphore(%arg9 : memref<!tpu.dma_semaphore, #tpu.memory_space<semaphore_mem>>)
    %add3A_32 = arith.constant 320000 : i32
    %add3A_33 = arith.addi %add3A_32, %mul3A_21 : i32
    %dma_start3A_34 = arith.constant 0 : i32
    %dma_start3A_35 = arith.constant 1 : i32
    %dma_start3A_36 = arith.constant 0 : i32
    %dma_start3A_37 = tpu.memref_slice %arg6[%dma_start3A_34, %dma_start3A_35, %dma_start3A_36] : memref<6x2x128xi32, #tpu.memory_space<vmem>> -> memref<1x1x128xi32, #tpu.memory_space<vmem>>
    %dma_start3A_38 = tpu.memref_squeeze %dma_start3A_37 : memref<1x1x128xi32, #tpu.memory_space<vmem>> -> memref<128xi32, #tpu.memory_space<vmem>>
    %dma_start3A_39 = tpu.memref_slice %arg3[%add3A_33] : memref<640000xi32, #tpu.memory_space<hbm>> -> memref<128xi32, #tpu.memory_space<hbm>>
    %dma_start3A_40 = arith.constant 0 : i32
    %dma_start3A_41 = tpu.memref_slice %arg6[%dma_start3A_34, %dma_start3A_35, %dma_start3A_40] : memref<6x2x128xi32, #tpu.memory_space<vmem>> -> memref<1x1x128xi32, #tpu.memory_space<vmem>>
    %dma_start3A_42 = tpu.memref_squeeze %dma_start3A_41 : memref<1x1x128xi32, #tpu.memory_space<vmem>> -> memref<128xi32, #tpu.memory_space<vmem>>
    %dma_start3A_43 = tpu.memref_slice %arg3[%add3A_33] : memref<640000xi32, #tpu.memory_space<hbm>> -> memref<128xi32, #tpu.memory_space<hbm>>
    tpu.enqueue_dma source(%dma_start3A_43 : memref<128xi32, #tpu.memory_space<hbm>>) target(%dma_start3A_42 : memref<128xi32, #tpu.memory_space<vmem>>) target_semaphore(%arg9 : memref<!tpu.dma_semaphore, #tpu.memory_space<semaphore_mem>>)
    %add3A_44 = arith.constant 1 : i32
    %add3A_45 = arith.addi %add3A_4, %add3A_44 : i32
    %mul3A_46 = arith.constant 128 : i32
    %mul3A_47 = arith.muli %add3A_45, %mul3A_46 : i32
    %dma_start3A_48 = arith.constant 1 : i32
    %dma_start3A_49 = arith.constant 0 : i32
    %dma_start3A_50 = arith.constant 0 : i32
    %dma_start3A_51 = tpu.memref_slice %arg6[%dma_start3A_48, %dma_start3A_49, %dma_start3A_50] : memref<6x2x128xi32, #tpu.memory_space<vmem>> -> memref<1x1x128xi32, #tpu.memory_space<vmem>>
    %dma_start3A_52 = tpu.memref_squeeze %dma_start3A_51 : memref<1x1x128xi32, #tpu.memory_space<vmem>> -> memref<128xi32, #tpu.memory_space<vmem>>
    %dma_start3A_53 = tpu.memref_slice %arg3[%mul3A_47] : memref<640000xi32, #tpu.memory_space<hbm>> -> memref<128xi32, #tpu.memory_space<hbm>>
    %dma_start3A_54 = arith.constant 0 : i32
    %dma_start3A_55 = tpu.memref_slice %arg6[%dma_start3A_48, %dma_start3A_49, %dma_start3A_54] : memref<6x2x128xi32, #tpu.memory_space<vmem>> -> memref<1x1x128xi32, #tpu.memory_space<vmem>>
    %dma_start3A_56 = tpu.memref_squeeze %dma_start3A_55 : memref<1x1x128xi32, #tpu.memory_space<vmem>> -> memref<128xi32, #tpu.memory_space<vmem>>
    %dma_start3A_57 = tpu.memref_slice %arg3[%mul3A_47] : memref<640000xi32, #tpu.memory_space<hbm>> -> memref<128xi32, #tpu.memory_space<hbm>>
    tpu.enqueue_dma source(%dma_start3A_57 : memref<128xi32, #tpu.memory_space<hbm>>) target(%dma_start3A_56 : memref<128xi32, #tpu.memory_space<vmem>>) target_semaphore(%arg10 : memref<!tpu.dma_semaphore, #tpu.memory_space<semaphore_mem>>)
    %add3A_58 = arith.constant 320000 : i32
    %add3A_59 = arith.addi %add3A_58, %mul3A_47 : i32
    %dma_start3A_60 = arith.constant 1 : i32
    %dma_start3A_61 = arith.constant 1 : i32
    %dma_start3A_62 = arith.constant 0 : i32
    %dma_start3A_63 = tpu.memref_slice %arg6[%dma_start3A_60, %dma_start3A_61, %dma_start3A_62] : memref<6x2x128xi32, #tpu.memory_space<vmem>> -> memref<1x1x128xi32, #tpu.memory_space<vmem>>
    %dma_start3A_64 = tpu.memref_squeeze %dma_start3A_63 : memref<1x1x128xi32, #tpu.memory_space<vmem>> -> memref<128xi32, #tpu.memory_space<vmem>>
    %dma_start3A_65 = tpu.memref_slice %arg3[%add3A_59] : memref<640000xi32, #tpu.memory_space<hbm>> -> memref<128xi32, #tpu.memory_space<hbm>>
    %dma_start3A_66 = arith.constant 0 : i32
    %dma_start3A_67 = tpu.memref_slice %arg6[%dma_start3A_60, %dma_start3A_61, %dma_start3A_66] : memref<6x2x128xi32, #tpu.memory_space<vmem>> -> memref<1x1x128xi32, #tpu.memory_space<vmem>>
    %dma_start3A_68 = tpu.memref_squeeze %dma_start3A_67 : memref<1x1x128xi32, #tpu.memory_space<vmem>> -> memref<128xi32, #tpu.memory_space<vmem>>
    %dma_start3A_69 = tpu.memref_slice %arg3[%add3A_59] : memref<640000xi32, #tpu.memory_space<hbm>> -> memref<128xi32, #tpu.memory_space<hbm>>
    tpu.enqueue_dma source(%dma_start3A_69 : memref<128xi32, #tpu.memory_space<hbm>>) target(%dma_start3A_68 : memref<128xi32, #tpu.memory_space<vmem>>) target_semaphore(%arg10 : memref<!tpu.dma_semaphore, #tpu.memory_space<semaphore_mem>>)
    %add3A_70 = arith.constant 2 : i32
    %add3A_71 = arith.addi %add3A_4, %add3A_70 : i32
    %mul3A_72 = arith.constant 128 : i32
    %mul3A_73 = arith.muli %add3A_71, %mul3A_72 : i32
    %dma_start3A_74 = arith.constant 2 : i32
    %dma_start3A_75 = arith.constant 0 : i32
    %dma_start3A_76 = arith.constant 0 : i32
    %dma_start3A_77 = tpu.memref_slice %arg6[%dma_start3A_74, %dma_start3A_75, %dma_start3A_76] : memref<6x2x128xi32, #tpu.memory_space<vmem>> -> memref<1x1x128xi32, #tpu.memory_space<vmem>>
    %dma_start3A_78 = tpu.memref_squeeze %dma_start3A_77 : memref<1x1x128xi32, #tpu.memory_space<vmem>> -> memref<128xi32, #tpu.memory_space<vmem>>
    %dma_start3A_79 = tpu.memref_slice %arg3[%mul3A_73] : memref<640000xi32, #tpu.memory_space<hbm>> -> memref<128xi32, #tpu.memory_space<hbm>>
    %dma_start3A_80 = arith.constant 0 : i32
    %dma_start3A_81 = tpu.memref_slice %arg6[%dma_start3A_74, %dma_start3A_75, %dma_start3A_80] : memref<6x2x128xi32, #tpu.memory_space<vmem>> -> memref<1x1x128xi32, #tpu.memory_space<vmem>>
    %dma_start3A_82 = tpu.memref_squeeze %dma_start3A_81 : memref<1x1x128xi32, #tpu.memory_space<vmem>> -> memref<128xi32, #tpu.memory_space<vmem>>
    %dma_start3A_83 = tpu.memref_slice %arg3[%mul3A_73] : memref<640000xi32, #tpu.memory_space<hbm>> -> memref<128xi32, #tpu.memory_space<hbm>>
    tpu.enqueue_dma source(%dma_start3A_83 : memref<128xi32, #tpu.memory_space<hbm>>) target(%dma_start3A_82 : memref<128xi32, #tpu.memory_space<vmem>>) target_semaphore(%arg11 : memref<!tpu.dma_semaphore, #tpu.memory_space<semaphore_mem>>)
    %add3A_84 = arith.constant 320000 : i32
    %add3A_85 = arith.addi %add3A_84, %mul3A_73 : i32
    %dma_start3A_86 = arith.constant 2 : i32
    %dma_start3A_87 = arith.constant 1 : i32
    %dma_start3A_88 = arith.constant 0 : i32
    %dma_start3A_89 = tpu.memref_slice %arg6[%dma_start3A_86, %dma_start3A_87, %dma_start3A_88] : memref<6x2x128xi32, #tpu.memory_space<vmem>> -> memref<1x1x128xi32, #tpu.memory_space<vmem>>
    %dma_start3A_90 = tpu.memref_squeeze %dma_start3A_89 : memref<1x1x128xi32, #tpu.memory_space<vmem>> -> memref<128xi32, #tpu.memory_space<vmem>>
    %dma_start3A_91 = tpu.memref_slice %arg3[%add3A_85] : memref<640000xi32, #tpu.memory_space<hbm>> -> memref<128xi32, #tpu.memory_space<hbm>>
    %dma_start3A_92 = arith.constant 0 : i32
    %dma_start3A_93 = tpu.memref_slice %arg6[%dma_start3A_86, %dma_start3A_87, %dma_start3A_92] : memref<6x2x128xi32, #tpu.memory_space<vmem>> -> memref<1x1x128xi32, #tpu.memory_space<vmem>>
    %dma_start3A_94 = tpu.memref_squeeze %dma_start3A_93 : memref<1x1x128xi32, #tpu.memory_space<vmem>> -> memref<128xi32, #tpu.memory_space<vmem>>
    %dma_start3A_95 = tpu.memref_slice %arg3[%add3A_85] : memref<640000xi32, #tpu.memory_space<hbm>> -> memref<128xi32, #tpu.memory_space<hbm>>
    tpu.enqueue_dma source(%dma_start3A_95 : memref<128xi32, #tpu.memory_space<hbm>>) target(%dma_start3A_94 : memref<128xi32, #tpu.memory_space<vmem>>) target_semaphore(%arg11 : memref<!tpu.dma_semaphore, #tpu.memory_space<semaphore_mem>>)
    %add3A_96 = arith.constant 3 : i32
    %add3A_97 = arith.addi %add3A_4, %add3A_96 : i32
    %mul3A_98 = arith.constant 128 : i32
    %mul3A_99 = arith.muli %add3A_97, %mul3A_98 : i32
    %dma_start3A_100 = arith.constant 3 : i32
    %dma_start3A_101 = arith.constant 0 : i32
    %dma_start3A_102 = arith.constant 0 : i32
    %dma_start3A_103 = tpu.memref_slice %arg6[%dma_start3A_100, %dma_start3A_101, %dma_start3A_102] : memref<6x2x128xi32, #tpu.memory_space<vmem>> -> memref<1x1x128xi32, #tpu.memory_space<vmem>>
    %dma_start3A_104 = tpu.memref_squeeze %dma_start3A_103 : memref<1x1x128xi32, #tpu.memory_space<vmem>> -> memref<128xi32, #tpu.memory_space<vmem>>
    %dma_start3A_105 = tpu.memref_slice %arg3[%mul3A_99] : memref<640000xi32, #tpu.memory_space<hbm>> -> memref<128xi32, #tpu.memory_space<hbm>>
    %dma_start3A_106 = arith.constant 0 : i32
    %dma_start3A_107 = tpu.memref_slice %arg6[%dma_start3A_100, %dma_start3A_101, %dma_start3A_106] : memref<6x2x128xi32, #tpu.memory_space<vmem>> -> memref<1x1x128xi32, #tpu.memory_space<vmem>>
    %dma_start3A_108 = tpu.memref_squeeze %dma_start3A_107 : memref<1x1x128xi32, #tpu.memory_space<vmem>> -> memref<128xi32, #tpu.memory_space<vmem>>
    %dma_start3A_109 = tpu.memref_slice %arg3[%mul3A_99] : memref<640000xi32, #tpu.memory_space<hbm>> -> memref<128xi32, #tpu.memory_space<hbm>>
    tpu.enqueue_dma source(%dma_start3A_109 : memref<128xi32, #tpu.memory_space<hbm>>) target(%dma_start3A_108 : memref<128xi32, #tpu.memory_space<vmem>>) target_semaphore(%arg12 : memref<!tpu.dma_semaphore, #tpu.memory_space<semaphore_mem>>)
    %add3A_110 = arith.constant 320000 : i32
    %add3A_111 = arith.addi %add3A_110, %mul3A_99 : i32
    %dma_start3A_112 = arith.constant 3 : i32
    %dma_start3A_113 = arith.constant 1 : i32
    %dma_start3A_114 = arith.constant 0 : i32
    %dma_start3A_115 = tpu.memref_slice %arg6[%dma_start3A_112, %dma_start3A_113, %dma_start3A_114] : memref<6x2x128xi32, #tpu.memory_space<vmem>> -> memref<1x1x128xi32, #tpu.memory_space<vmem>>
    %dma_start3A_116 = tpu.memref_squeeze %dma_start3A_115 : memref<1x1x128xi32, #tpu.memory_space<vmem>> -> memref<128xi32, #tpu.memory_space<vmem>>
    %dma_start3A_117 = tpu.memref_slice %arg3[%add3A_111] : memref<640000xi32, #tpu.memory_space<hbm>> -> memref<128xi32, #tpu.memory_space<hbm>>
    %dma_start3A_118 = arith.constant 0 : i32
    %dma_start3A_119 = tpu.memref_slice %arg6[%dma_start3A_112, %dma_start3A_113, %dma_start3A_118] : memref<6x2x128xi32, #tpu.memory_space<vmem>> -> memref<1x1x128xi32, #tpu.memory_space<vmem>>
    %dma_start3A_120 = tpu.memref_squeeze %dma_start3A_119 : memref<1x1x128xi32, #tpu.memory_space<vmem>> -> memref<128xi32, #tpu.memory_space<vmem>>
    %dma_start3A_121 = tpu.memref_slice %arg3[%add3A_111] : memref<640000xi32, #tpu.memory_space<hbm>> -> memref<128xi32, #tpu.memory_space<hbm>>
    tpu.enqueue_dma source(%dma_start3A_121 : memref<128xi32, #tpu.memory_space<hbm>>) target(%dma_start3A_120 : memref<128xi32, #tpu.memory_space<vmem>>) target_semaphore(%arg12 : memref<!tpu.dma_semaphore, #tpu.memory_space<semaphore_mem>>)
    %add3A_122 = arith.constant 4 : i32
    %add3A_123 = arith.addi %add3A_4, %add3A_122 : i32
    %mul3A_124 = arith.constant 128 : i32
    %mul3A_125 = arith.muli %add3A_123, %mul3A_124 : i32
    %dma_start3A_126 = arith.constant 4 : i32
    %dma_start3A_127 = arith.constant 0 : i32
    %dma_start3A_128 = arith.constant 0 : i32
    %dma_start3A_129 = tpu.memref_slice %arg6[%dma_start3A_126, %dma_start3A_127, %dma_start3A_128] : memref<6x2x128xi32, #tpu.memory_space<vmem>> -> memref<1x1x128xi32, #tpu.memory_space<vmem>>
    %dma_start3A_130 = tpu.memref_squeeze %dma_start3A_129 : memref<1x1x128xi32, #tpu.memory_space<vmem>> -> memref<128xi32, #tpu.memory_space<vmem>>
    %dma_start3A_131 = tpu.memref_slice %arg3[%mul3A_125] : memref<640000xi32, #tpu.memory_space<hbm>> -> memref<128xi32, #tpu.memory_space<hbm>>
    %dma_start3A_132 = arith.constant 0 : i32
    %dma_start3A_133 = tpu.memref_slice %arg6[%dma_start3A_126, %dma_start3A_127, %dma_start3A_132] : memref<6x2x128xi32, #tpu.memory_space<vmem>> -> memref<1x1x128xi32, #tpu.memory_space<vmem>>
    %dma_start3A_134 = tpu.memref_squeeze %dma_start3A_133 : memref<1x1x128xi32, #tpu.memory_space<vmem>> -> memref<128xi32, #tpu.memory_space<vmem>>
    %dma_start3A_135 = tpu.memref_slice %arg3[%mul3A_125] : memref<640000xi32, #tpu.memory_space<hbm>> -> memref<128xi32, #tpu.memory_space<hbm>>
    tpu.enqueue_dma source(%dma_start3A_135 : memref<128xi32, #tpu.memory_space<hbm>>) target(%dma_start3A_134 : memref<128xi32, #tpu.memory_space<vmem>>) target_semaphore(%arg13 : memref<!tpu.dma_semaphore, #tpu.memory_space<semaphore_mem>>)
    %add3A_136 = arith.constant 320000 : i32
    %add3A_137 = arith.addi %add3A_136, %mul3A_125 : i32
    %dma_start3A_138 = arith.constant 4 : i32
    %dma_start3A_139 = arith.constant 1 : i32
    %dma_start3A_140 = arith.constant 0 : i32
    %dma_start3A_141 = tpu.memref_slice %arg6[%dma_start3A_138, %dma_start3A_139, %dma_start3A_140] : memref<6x2x128xi32, #tpu.memory_space<vmem>> -> memref<1x1x128xi32, #tpu.memory_space<vmem>>
    %dma_start3A_142 = tpu.memref_squeeze %dma_start3A_141 : memref<1x1x128xi32, #tpu.memory_space<vmem>> -> memref<128xi32, #tpu.memory_space<vmem>>
    %dma_start3A_143 = tpu.memref_slice %arg3[%add3A_137] : memref<640000xi32, #tpu.memory_space<hbm>> -> memref<128xi32, #tpu.memory_space<hbm>>
    %dma_start3A_144 = arith.constant 0 : i32
    %dma_start3A_145 = tpu.memref_slice %arg6[%dma_start3A_138, %dma_start3A_139, %dma_start3A_144] : memref<6x2x128xi32, #tpu.memory_space<vmem>> -> memref<1x1x128xi32, #tpu.memory_space<vmem>>
    %dma_start3A_146 = tpu.memref_squeeze %dma_start3A_145 : memref<1x1x128xi32, #tpu.memory_space<vmem>> -> memref<128xi32, #tpu.memory_space<vmem>>
    %dma_start3A_147 = tpu.memref_slice %arg3[%add3A_137] : memref<640000xi32, #tpu.memory_space<hbm>> -> memref<128xi32, #tpu.memory_space<hbm>>
    tpu.enqueue_dma source(%dma_start3A_147 : memref<128xi32, #tpu.memory_space<hbm>>) target(%dma_start3A_146 : memref<128xi32, #tpu.memory_space<vmem>>) target_semaphore(%arg13 : memref<!tpu.dma_semaphore, #tpu.memory_space<semaphore_mem>>)
    %add3A_148 = arith.constant 5 : i32
    %add3A_149 = arith.addi %add3A_4, %add3A_148 : i32
    %mul3A_150 = arith.constant 128 : i32
    %mul3A_151 = arith.muli %add3A_149, %mul3A_150 : i32
    %dma_start3A_152 = arith.constant 5 : i32
    %dma_start3A_153 = arith.constant 0 : i32
    %dma_start3A_154 = arith.constant 0 : i32
    %dma_start3A_155 = tpu.memref_slice %arg6[%dma_start3A_152, %dma_start3A_153, %dma_start3A_154] : memref<6x2x128xi32, #tpu.memory_space<vmem>> -> memref<1x1x128xi32, #tpu.memory_space<vmem>>
    %dma_start3A_156 = tpu.memref_squeeze %dma_start3A_155 : memref<1x1x128xi32, #tpu.memory_space<vmem>> -> memref<128xi32, #tpu.memory_space<vmem>>
    %dma_start3A_157 = tpu.memref_slice %arg3[%mul3A_151] : memref<640000xi32, #tpu.memory_space<hbm>> -> memref<128xi32, #tpu.memory_space<hbm>>
    %dma_start3A_158 = arith.constant 0 : i32
    %dma_start3A_159 = tpu.memref_slice %arg6[%dma_start3A_152, %dma_start3A_153, %dma_start3A_158] : memref<6x2x128xi32, #tpu.memory_space<vmem>> -> memref<1x1x128xi32, #tpu.memory_space<vmem>>
    %dma_start3A_160 = tpu.memref_squeeze %dma_start3A_159 : memref<1x1x128xi32, #tpu.memory_space<vmem>> -> memref<128xi32, #tpu.memory_space<vmem>>
    %dma_start3A_161 = tpu.memref_slice %arg3[%mul3A_151] : memref<640000xi32, #tpu.memory_space<hbm>> -> memref<128xi32, #tpu.memory_space<hbm>>
    tpu.enqueue_dma source(%dma_start3A_161 : memref<128xi32, #tpu.memory_space<hbm>>) target(%dma_start3A_160 : memref<128xi32, #tpu.memory_space<vmem>>) target_semaphore(%arg14 : memref<!tpu.dma_semaphore, #tpu.memory_space<semaphore_mem>>)
    %add3A_162 = arith.constant 320000 : i32
    %add3A_163 = arith.addi %add3A_162, %mul3A_151 : i32
    %dma_start3A_164 = arith.constant 5 : i32
    %dma_start3A_165 = arith.constant 1 : i32
    %dma_start3A_166 = arith.constant 0 : i32
    %dma_start3A_167 = tpu.memref_slice %arg6[%dma_start3A_164, %dma_start3A_165, %dma_start3A_166] : memref<6x2x128xi32, #tpu.memory_space<vmem>> -> memref<1x1x128xi32, #tpu.memory_space<vmem>>
    %dma_start3A_168 = tpu.memref_squeeze %dma_start3A_167 : memref<1x1x128xi32, #tpu.memory_space<vmem>> -> memref<128xi32, #tpu.memory_space<vmem>>
    %dma_start3A_169 = tpu.memref_slice %arg3[%add3A_163] : memref<640000xi32, #tpu.memory_space<hbm>> -> memref<128xi32, #tpu.memory_space<hbm>>
    %dma_start3A_170 = arith.constant 0 : i32
    %dma_start3A_171 = tpu.memref_slice %arg6[%dma_start3A_164, %dma_start3A_165, %dma_start3A_170] : memref<6x2x128xi32, #tpu.memory_space<vmem>> -> memref<1x1x128xi32, #tpu.memory_space<vmem>>
    %dma_start3A_172 = tpu.memref_squeeze %dma_start3A_171 : memref<1x1x128xi32, #tpu.memory_space<vmem>> -> memref<128xi32, #tpu.memory_space<vmem>>
    %dma_start3A_173 = tpu.memref_slice %arg3[%add3A_163] : memref<640000xi32, #tpu.memory_space<hbm>> -> memref<128xi32, #tpu.memory_space<hbm>>
    tpu.enqueue_dma source(%dma_start3A_173 : memref<128xi32, #tpu.memory_space<hbm>>) target(%dma_start3A_172 : memref<128xi32, #tpu.memory_space<vmem>>) target_semaphore(%arg14 : memref<!tpu.dma_semaphore, #tpu.memory_space<semaphore_mem>>)
    %add3A_174 = arith.constant 0 : i32
    %add3A_175 = arith.addi %add3A_4, %add3A_174 : i32
    %mul3A_176 = arith.constant 128 : i32
    %mul3A_177 = arith.muli %add3A_175, %mul3A_176 : i32
    %dma_wait3A = arith.constant 0 : i32
    %dma_wait3A_178 = arith.constant 0 : i32
    %dma_wait3A_179 = arith.constant 0 : i32
    %dma_wait3A_180 = tpu.memref_slice %arg6[%dma_wait3A, %dma_wait3A_178, %dma_wait3A_179] : memref<6x2x128xi32, #tpu.memory_space<vmem>> -> memref<1x1x128xi32, #tpu.memory_space<vmem>>
    %dma_wait3A_181 = tpu.memref_squeeze %dma_wait3A_180 : memref<1x1x128xi32, #tpu.memory_space<vmem>> -> memref<128xi32, #tpu.memory_space<vmem>>
    %dma_wait3A_182 = tpu.memref_slice %arg3[%mul3A_177] : memref<640000xi32, #tpu.memory_space<hbm>> -> memref<128xi32, #tpu.memory_space<hbm>>
    %dma_wait3A_183 = arith.constant 0 : i32
    %dma_wait3A_184 = tpu.memref_slice %arg6[%dma_wait3A, %dma_wait3A_178, %dma_wait3A_183] : memref<6x2x128xi32, #tpu.memory_space<vmem>> -> memref<1x1x128xi32, #tpu.memory_space<vmem>>
    %dma_wait3A_185 = tpu.memref_squeeze %dma_wait3A_184 : memref<1x1x128xi32, #tpu.memory_space<vmem>> -> memref<128xi32, #tpu.memory_space<vmem>>
    %dma_wait3A_186 = tpu.memref_slice %arg3[%mul3A_177] : memref<640000xi32, #tpu.memory_space<hbm>> -> memref<128xi32, #tpu.memory_space<hbm>>
    tpu.wait_dma2 semaphore(%arg9 : memref<!tpu.dma_semaphore, #tpu.memory_space<semaphore_mem>>) src(%dma_wait3A_186 : memref<128xi32, #tpu.memory_space<hbm>>) dst(%dma_wait3A_185 : memref<128xi32, #tpu.memory_space<vmem>>)
    %add3A_187 = arith.constant 320000 : i32
    %add3A_188 = arith.addi %add3A_187, %mul3A_177 : i32
    %dma_wait3A_189 = arith.constant 0 : i32
    %dma_wait3A_190 = arith.constant 1 : i32
    %dma_wait3A_191 = arith.constant 0 : i32
    %dma_wait3A_192 = tpu.memref_slice %arg6[%dma_wait3A_189, %dma_wait3A_190, %dma_wait3A_191] : memref<6x2x128xi32, #tpu.memory_space<vmem>> -> memref<1x1x128xi32, #tpu.memory_space<vmem>>
    %dma_wait3A_193 = tpu.memref_squeeze %dma_wait3A_192 : memref<1x1x128xi32, #tpu.memory_space<vmem>> -> memref<128xi32, #tpu.memory_space<vmem>>
    %dma_wait3A_194 = tpu.memref_slice %arg3[%add3A_188] : memref<640000xi32, #tpu.memory_space<hbm>> -> memref<128xi32, #tpu.memory_space<hbm>>
    %dma_wait3A_195 = arith.constant 0 : i32
    %dma_wait3A_196 = tpu.memref_slice %arg6[%dma_wait3A_189, %dma_wait3A_190, %dma_wait3A_195] : memref<6x2x128xi32, #tpu.memory_space<vmem>> -> memref<1x1x128xi32, #tpu.memory_space<vmem>>
    %dma_wait3A_197 = tpu.memref_squeeze %dma_wait3A_196 : memref<1x1x128xi32, #tpu.memory_space<vmem>> -> memref<128xi32, #tpu.memory_space<vmem>>
    %dma_wait3A_198 = tpu.memref_slice %arg3[%add3A_188] : memref<640000xi32, #tpu.memory_space<hbm>> -> memref<128xi32, #tpu.memory_space<hbm>>
    tpu.wait_dma2 semaphore(%arg9 : memref<!tpu.dma_semaphore, #tpu.memory_space<semaphore_mem>>) src(%dma_wait3A_198 : memref<128xi32, #tpu.memory_space<hbm>>) dst(%dma_wait3A_197 : memref<128xi32, #tpu.memory_space<vmem>>)
    %dma_start3A_199 = arith.constant 0 : i32
    %dma_start3A_200 = arith.constant 0 : i32
    %dma_start3A_201 = arith.constant 0 : i32
    %dma_start3A_202 = arith.constant 0 : i32
    %dma_start3A_203 = arith.constant 0 : i32
    %dma_start3A_204 = tpu.memref_slice %arg7[%dma_start3A_201, %dma_start3A_202, %dma_start3A_203] : memref<3x128x128xf32, #tpu.memory_space<vmem>> -> memref<1x128x128xf32, #tpu.memory_space<vmem>>
    %dma_start3A_205 = tpu.memref_squeeze %dma_start3A_204 : memref<1x128x128xf32, #tpu.memory_space<vmem>> -> memref<128x128xf32, #tpu.memory_space<vmem>>
    %dma_start3A_206 = arith.constant 0 : i32
    %dma_start3A_207 = tpu.memref_slice %arg6[%dma_start3A_199, %dma_start3A_200, %dma_start3A_206] : memref<6x2x128xi32, #tpu.memory_space<vmem>> -> memref<1x1x128xi32, #tpu.memory_space<vmem>>
    %dma_start3A_208 = tpu.memref_squeeze %dma_start3A_207 : memref<1x1x128xi32, #tpu.memory_space<vmem>> -> memref<128xi32, #tpu.memory_space<vmem>>
    %dma_start3A_209 = arith.constant 0 : i32
    %dma_start3A_210 = arith.constant 0 : i32
    %dma_start3A_211 = tpu.memref_slice %arg2[%dma_start3A_209, %dma_start3A_210] : memref<10000x128xf32, #tpu.memory_space<hbm>> -> memref<10000x128xf32, #tpu.memory_space<hbm>>
    tpu.enqueue_indirect_dma source(%dma_start3A_211 : memref<10000x128xf32, #tpu.memory_space<hbm>>) target(%dma_start3A_205 : memref<128x128xf32, #tpu.memory_space<vmem>>) offsets(%dma_start3A_208 : memref<128xi32, #tpu.memory_space<vmem>>) semaphore(%arg15 : memref<!tpu.dma_semaphore, #tpu.memory_space<semaphore_mem>>)
    %add3A_212 = arith.constant 1 : i32
    %add3A_213 = arith.addi %add3A_4, %add3A_212 : i32
    %mul3A_214 = arith.constant 128 : i32
    %mul3A_215 = arith.muli %add3A_213, %mul3A_214 : i32
    %dma_wait3A_216 = arith.constant 1 : i32
    %dma_wait3A_217 = arith.constant 0 : i32
    %dma_wait3A_218 = arith.constant 0 : i32
    %dma_wait3A_219 = tpu.memref_slice %arg6[%dma_wait3A_216, %dma_wait3A_217, %dma_wait3A_218] : memref<6x2x128xi32, #tpu.memory_space<vmem>> -> memref<1x1x128xi32, #tpu.memory_space<vmem>>
    %dma_wait3A_220 = tpu.memref_squeeze %dma_wait3A_219 : memref<1x1x128xi32, #tpu.memory_space<vmem>> -> memref<128xi32, #tpu.memory_space<vmem>>
    %dma_wait3A_221 = tpu.memref_slice %arg3[%mul3A_215] : memref<640000xi32, #tpu.memory_space<hbm>> -> memref<128xi32, #tpu.memory_space<hbm>>
    %dma_wait3A_222 = arith.constant 0 : i32
    %dma_wait3A_223 = tpu.memref_slice %arg6[%dma_wait3A_216, %dma_wait3A_217, %dma_wait3A_222] : memref<6x2x128xi32, #tpu.memory_space<vmem>> -> memref<1x1x128xi32, #tpu.memory_space<vmem>>
    %dma_wait3A_224 = tpu.memref_squeeze %dma_wait3A_223 : memref<1x1x128xi32, #tpu.memory_space<vmem>> -> memref<128xi32, #tpu.memory_space<vmem>>
    %dma_wait3A_225 = tpu.memref_slice %arg3[%mul3A_215] : memref<640000xi32, #tpu.memory_space<hbm>> -> memref<128xi32, #tpu.memory_space<hbm>>
    tpu.wait_dma2 semaphore(%arg10 : memref<!tpu.dma_semaphore, #tpu.memory_space<semaphore_mem>>) src(%dma_wait3A_225 : memref<128xi32, #tpu.memory_space<hbm>>) dst(%dma_wait3A_224 : memref<128xi32, #tpu.memory_space<vmem>>)
    %add3A_226 = arith.constant 320000 : i32
    %add3A_227 = arith.addi %add3A_226, %mul3A_215 : i32
    %dma_wait3A_228 = arith.constant 1 : i32
    %dma_wait3A_229 = arith.constant 1 : i32
    %dma_wait3A_230 = arith.constant 0 : i32
    %dma_wait3A_231 = tpu.memref_slice %arg6[%dma_wait3A_228, %dma_wait3A_229, %dma_wait3A_230] : memref<6x2x128xi32, #tpu.memory_space<vmem>> -> memref<1x1x128xi32, #tpu.memory_space<vmem>>
    %dma_wait3A_232 = tpu.memref_squeeze %dma_wait3A_231 : memref<1x1x128xi32, #tpu.memory_space<vmem>> -> memref<128xi32, #tpu.memory_space<vmem>>
    %dma_wait3A_233 = tpu.memref_slice %arg3[%add3A_227] : memref<640000xi32, #tpu.memory_space<hbm>> -> memref<128xi32, #tpu.memory_space<hbm>>
    %dma_wait3A_234 = arith.constant 0 : i32
    %dma_wait3A_235 = tpu.memref_slice %arg6[%dma_wait3A_228, %dma_wait3A_229, %dma_wait3A_234] : memref<6x2x128xi32, #tpu.memory_space<vmem>> -> memref<1x1x128xi32, #tpu.memory_space<vmem>>
    %dma_wait3A_236 = tpu.memref_squeeze %dma_wait3A_235 : memref<1x1x128xi32, #tpu.memory_space<vmem>> -> memref<128xi32, #tpu.memory_space<vmem>>
    %dma_wait3A_237 = tpu.memref_slice %arg3[%add3A_227] : memref<640000xi32, #tpu.memory_space<hbm>> -> memref<128xi32, #tpu.memory_space<hbm>>
    tpu.wait_dma2 semaphore(%arg10 : memref<!tpu.dma_semaphore, #tpu.memory_space<semaphore_mem>>) src(%dma_wait3A_237 : memref<128xi32, #tpu.memory_space<hbm>>) dst(%dma_wait3A_236 : memref<128xi32, #tpu.memory_space<vmem>>)
    %dma_start3A_238 = arith.constant 1 : i32
    %dma_start3A_239 = arith.constant 0 : i32
    %dma_start3A_240 = arith.constant 1 : i32
    %dma_start3A_241 = arith.constant 0 : i32
    %dma_start3A_242 = arith.constant 0 : i32
    %dma_start3A_243 = tpu.memref_slice %arg7[%dma_start3A_240, %dma_start3A_241, %dma_start3A_242] : memref<3x128x128xf32, #tpu.memory_space<vmem>> -> memref<1x128x128xf32, #tpu.memory_space<vmem>>
    %dma_start3A_244 = tpu.memref_squeeze %dma_start3A_243 : memref<1x128x128xf32, #tpu.memory_space<vmem>> -> memref<128x128xf32, #tpu.memory_space<vmem>>
    %dma_start3A_245 = arith.constant 0 : i32
    %dma_start3A_246 = tpu.memref_slice %arg6[%dma_start3A_238, %dma_start3A_239, %dma_start3A_245] : memref<6x2x128xi32, #tpu.memory_space<vmem>> -> memref<1x1x128xi32, #tpu.memory_space<vmem>>
    %dma_start3A_247 = tpu.memref_squeeze %dma_start3A_246 : memref<1x1x128xi32, #tpu.memory_space<vmem>> -> memref<128xi32, #tpu.memory_space<vmem>>
    %dma_start3A_248 = arith.constant 0 : i32
    %dma_start3A_249 = arith.constant 0 : i32
    %dma_start3A_250 = tpu.memref_slice %arg2[%dma_start3A_248, %dma_start3A_249] : memref<10000x128xf32, #tpu.memory_space<hbm>> -> memref<10000x128xf32, #tpu.memory_space<hbm>>
    tpu.enqueue_indirect_dma source(%dma_start3A_250 : memref<10000x128xf32, #tpu.memory_space<hbm>>) target(%dma_start3A_244 : memref<128x128xf32, #tpu.memory_space<vmem>>) offsets(%dma_start3A_247 : memref<128xi32, #tpu.memory_space<vmem>>) semaphore(%arg16 : memref<!tpu.dma_semaphore, #tpu.memory_space<semaphore_mem>>)
    %add3A_251 = arith.constant 2 : i32
    %add3A_252 = arith.addi %add3A_4, %add3A_251 : i32
    %mul3A_253 = arith.constant 128 : i32
    %mul3A_254 = arith.muli %add3A_252, %mul3A_253 : i32
    %dma_wait3A_255 = arith.constant 2 : i32
    %dma_wait3A_256 = arith.constant 0 : i32
    %dma_wait3A_257 = arith.constant 0 : i32
    %dma_wait3A_258 = tpu.memref_slice %arg6[%dma_wait3A_255, %dma_wait3A_256, %dma_wait3A_257] : memref<6x2x128xi32, #tpu.memory_space<vmem>> -> memref<1x1x128xi32, #tpu.memory_space<vmem>>
    %dma_wait3A_259 = tpu.memref_squeeze %dma_wait3A_258 : memref<1x1x128xi32, #tpu.memory_space<vmem>> -> memref<128xi32, #tpu.memory_space<vmem>>
    %dma_wait3A_260 = tpu.memref_slice %arg3[%mul3A_254] : memref<640000xi32, #tpu.memory_space<hbm>> -> memref<128xi32, #tpu.memory_space<hbm>>
    %dma_wait3A_261 = arith.constant 0 : i32
    %dma_wait3A_262 = tpu.memref_slice %arg6[%dma_wait3A_255, %dma_wait3A_256, %dma_wait3A_261] : memref<6x2x128xi32, #tpu.memory_space<vmem>> -> memref<1x1x128xi32, #tpu.memory_space<vmem>>
    %dma_wait3A_263 = tpu.memref_squeeze %dma_wait3A_262 : memref<1x1x128xi32, #tpu.memory_space<vmem>> -> memref<128xi32, #tpu.memory_space<vmem>>
    %dma_wait3A_264 = tpu.memref_slice %arg3[%mul3A_254] : memref<640000xi32, #tpu.memory_space<hbm>> -> memref<128xi32, #tpu.memory_space<hbm>>
    tpu.wait_dma2 semaphore(%arg11 : memref<!tpu.dma_semaphore, #tpu.memory_space<semaphore_mem>>) src(%dma_wait3A_264 : memref<128xi32, #tpu.memory_space<hbm>>) dst(%dma_wait3A_263 : memref<128xi32, #tpu.memory_space<vmem>>)
    %add3A_265 = arith.constant 320000 : i32
    %add3A_266 = arith.addi %add3A_265, %mul3A_254 : i32
    %dma_wait3A_267 = arith.constant 2 : i32
    %dma_wait3A_268 = arith.constant 1 : i32
    %dma_wait3A_269 = arith.constant 0 : i32
    %dma_wait3A_270 = tpu.memref_slice %arg6[%dma_wait3A_267, %dma_wait3A_268, %dma_wait3A_269] : memref<6x2x128xi32, #tpu.memory_space<vmem>> -> memref<1x1x128xi32, #tpu.memory_space<vmem>>
    %dma_wait3A_271 = tpu.memref_squeeze %dma_wait3A_270 : memref<1x1x128xi32, #tpu.memory_space<vmem>> -> memref<128xi32, #tpu.memory_space<vmem>>
    %dma_wait3A_272 = tpu.memref_slice %arg3[%add3A_266] : memref<640000xi32, #tpu.memory_space<hbm>> -> memref<128xi32, #tpu.memory_space<hbm>>
    %dma_wait3A_273 = arith.constant 0 : i32
    %dma_wait3A_274 = tpu.memref_slice %arg6[%dma_wait3A_267, %dma_wait3A_268, %dma_wait3A_273] : memref<6x2x128xi32, #tpu.memory_space<vmem>> -> memref<1x1x128xi32, #tpu.memory_space<vmem>>
    %dma_wait3A_275 = tpu.memref_squeeze %dma_wait3A_274 : memref<1x1x128xi32, #tpu.memory_space<vmem>> -> memref<128xi32, #tpu.memory_space<vmem>>
    %dma_wait3A_276 = tpu.memref_slice %arg3[%add3A_266] : memref<640000xi32, #tpu.memory_space<hbm>> -> memref<128xi32, #tpu.memory_space<hbm>>
    tpu.wait_dma2 semaphore(%arg11 : memref<!tpu.dma_semaphore, #tpu.memory_space<semaphore_mem>>) src(%dma_wait3A_276 : memref<128xi32, #tpu.memory_space<hbm>>) dst(%dma_wait3A_275 : memref<128xi32, #tpu.memory_space<vmem>>)
    %dma_start3A_277 = arith.constant 2 : i32
    %dma_start3A_278 = arith.constant 0 : i32
    %dma_start3A_279 = arith.constant 2 : i32
    %dma_start3A_280 = arith.constant 0 : i32
    %dma_start3A_281 = arith.constant 0 : i32
    %dma_start3A_282 = tpu.memref_slice %arg7[%dma_start3A_279, %dma_start3A_280, %dma_start3A_281] : memref<3x128x128xf32, #tpu.memory_space<vmem>> -> memref<1x128x128xf32, #tpu.memory_space<vmem>>
    %dma_start3A_283 = tpu.memref_squeeze %dma_start3A_282 : memref<1x128x128xf32, #tpu.memory_space<vmem>> -> memref<128x128xf32, #tpu.memory_space<vmem>>
    %dma_start3A_284 = arith.constant 0 : i32
    %dma_start3A_285 = tpu.memref_slice %arg6[%dma_start3A_277, %dma_start3A_278, %dma_start3A_284] : memref<6x2x128xi32, #tpu.memory_space<vmem>> -> memref<1x1x128xi32, #tpu.memory_space<vmem>>
    %dma_start3A_286 = tpu.memref_squeeze %dma_start3A_285 : memref<1x1x128xi32, #tpu.memory_space<vmem>> -> memref<128xi32, #tpu.memory_space<vmem>>
    %dma_start3A_287 = arith.constant 0 : i32
    %dma_start3A_288 = arith.constant 0 : i32
    %dma_start3A_289 = tpu.memref_slice %arg2[%dma_start3A_287, %dma_start3A_288] : memref<10000x128xf32, #tpu.memory_space<hbm>> -> memref<10000x128xf32, #tpu.memory_space<hbm>>
    tpu.enqueue_indirect_dma source(%dma_start3A_289 : memref<10000x128xf32, #tpu.memory_space<hbm>>) target(%dma_start3A_283 : memref<128x128xf32, #tpu.memory_space<vmem>>) offsets(%dma_start3A_286 : memref<128xi32, #tpu.memory_space<vmem>>) semaphore(%arg17 : memref<!tpu.dma_semaphore, #tpu.memory_space<semaphore_mem>>)
    %mul3A_290 = arith.constant 624 : i32
    %mul3A_291 = arith.muli %arg1, %mul3A_290 : i32
    %mul3A_292 = arith.constant 624 : i32
    %mul3A_293 = arith.muli %arg1, %mul3A_292 : i32
    %dma_wait3A_294 = arith.constant 0 : i32
    %dma_wait3A_295 = tpu.memref_slice %arg8[%mul3A_293, %dma_wait3A_294] : memref<10000x128xf32, #tpu.memory_space<vmem_shared>> -> memref<624x128xf32, #tpu.memory_space<vmem_shared>>
    %dma_wait3A_296 = arith.constant 0 : i32
    %dma_wait3A_297 = tpu.memref_slice %arg4[%mul3A_291, %dma_wait3A_296] : memref<10000x128xf32, #tpu.memory_space<hbm>> -> memref<624x128xf32, #tpu.memory_space<hbm>>
    tpu.wait_dma2 semaphore(%arg18 : memref<!tpu.dma_semaphore, #tpu.memory_space<semaphore_mem>>) src(%dma_wait3A_297 : memref<624x128xf32, #tpu.memory_space<hbm>>) dst(%dma_wait3A_295 : memref<624x128xf32, #tpu.memory_space<vmem_shared>>)
    %eq3A_298 = arith.constant 15 : i32
    %eq3A_299 = arith.cmpi eq, %arg1, %eq3A_298 : i32
    %convert_element_type3A_300 = arith.extui %eq3A_299 : i1 to i32
    %cond3A_301 = arith.constant 0 : i32
    %cond3A_302 = arith.cmpi ne, %convert_element_type3A_300, %cond3A_301 : i32
    scf.if %cond3A_302 {
      %dma_wait3A_323 = arith.constant 9984 : i32
      %dma_wait3A_324 = arith.constant 0 : i32
      %dma_wait3A_325 = tpu.memref_slice %arg8[%dma_wait3A_323, %dma_wait3A_324] : memref<10000x128xf32, #tpu.memory_space<vmem_shared>> -> memref<16x128xf32, #tpu.memory_space<vmem_shared>>
      %dma_wait3A_326 = arith.constant 9984 : i32
      %dma_wait3A_327 = arith.constant 0 : i32
      %dma_wait3A_328 = tpu.memref_slice %arg4[%dma_wait3A_326, %dma_wait3A_327] : memref<10000x128xf32, #tpu.memory_space<hbm>> -> memref<16x128xf32, #tpu.memory_space<hbm>>
      tpu.wait_dma2 semaphore(%arg18 : memref<!tpu.dma_semaphore, #tpu.memory_space<semaphore_mem>>) src(%dma_wait3A_328 : memref<16x128xf32, #tpu.memory_space<hbm>>) dst(%dma_wait3A_325 : memref<16x128xf32, #tpu.memory_space<vmem_shared>>)
    } else {
    }
    %barrier3A = arith.constant 0 : index
    tpu.barrier barrier_id(%barrier3A)
    %scan3A = arith.constant 0 : i32
    %scan3A_303 = arith.constant 0 : i32
    %scan3A_304 = arith.constant 13 : i32
    %scan3A_305 = arith.addi %scan3A_303, %scan3A_304 : i32
    %scan3A_306 = arith.constant 1 : i32
    scf.for %scan3A_323 = %scan3A_303 to %scan3A_305 step %scan3A_306  : i32 {
      %mul3A_324 = arith.constant 6 : i32
      %mul3A_325 = arith.muli %scan3A_323, %mul3A_324 : i32
      %add3A_326 = arith.constant 0 : i32
      %add3A_327 = arith.addi %mul3A_325, %add3A_326 : i32
      %dma_wait3A_328 = arith.constant 0 : i32
      %dma_wait3A_329 = arith.constant 0 : i32
      %dma_wait3A_330 = arith.constant 0 : i32
      %dma_wait3A_331 = arith.constant 0 : i32
      %dma_wait3A_332 = arith.constant 0 : i32
      %dma_wait3A_333 = tpu.memref_slice %arg7[%dma_wait3A_330, %dma_wait3A_331, %dma_wait3A_332] : memref<3x128x128xf32, #tpu.memory_space<vmem>> -> memref<1x128x128xf32, #tpu.memory_space<vmem>>
      %dma_wait3A_334 = tpu.memref_squeeze %dma_wait3A_333 : memref<1x128x128xf32, #tpu.memory_space<vmem>> -> memref<128x128xf32, #tpu.memory_space<vmem>>
      %dma_wait3A_335 = arith.constant 0 : i32
      %dma_wait3A_336 = tpu.memref_slice %arg6[%dma_wait3A_328, %dma_wait3A_329, %dma_wait3A_335] : memref<6x2x128xi32, #tpu.memory_space<vmem>> -> memref<1x1x128xi32, #tpu.memory_space<vmem>>
      %dma_wait3A_337 = tpu.memref_squeeze %dma_wait3A_336 : memref<1x1x128xi32, #tpu.memory_space<vmem>> -> memref<128xi32, #tpu.memory_space<vmem>>
      %dma_wait3A_338 = arith.constant 0 : i32
      %dma_wait3A_339 = arith.constant 0 : i32
      %dma_wait3A_340 = tpu.memref_slice %arg2[%dma_wait3A_338, %dma_wait3A_339] : memref<10000x128xf32, #tpu.memory_space<hbm>> -> memref<10000x128xf32, #tpu.memory_space<hbm>>
      tpu.wait_indirect_dma semaphore(%arg15 : memref<!tpu.dma_semaphore, #tpu.memory_space<semaphore_mem>>) src(%dma_wait3A_340 : memref<10000x128xf32, #tpu.memory_space<hbm>>) dst(%dma_wait3A_334 : memref<128x128xf32, #tpu.memory_space<vmem>>)
      %run_scoped3A = arith.constant 0 : i32
      %run_scoped3A_341 = arith.constant 0 : i32
      %run_scoped3A_342 = arith.constant 1 : i32
      "tpu.region"() ({
        %run_scoped3A_505 = tpu.sem_alloc : memref<!tpu.dma_semaphore, #tpu.memory_space<semaphore_mem>>
        %dma_start3A_506 = arith.constant 0 : i32
        %dma_start3A_507 = arith.constant 0 : i32
        %dma_start3A_508 = tpu.memref_slice %arg7[%run_scoped3A, %dma_start3A_506, %dma_start3A_507] : memref<3x128x128xf32, #tpu.memory_space<vmem>> -> memref<1x128x128xf32, #tpu.memory_space<vmem>>
        %dma_start3A_509 = tpu.memref_squeeze %dma_start3A_508 : memref<1x128x128xf32, #tpu.memory_space<vmem>> -> memref<128x128xf32, #tpu.memory_space<vmem>>
        %dma_start3A_510 = arith.constant 0 : i32
        %dma_start3A_511 = tpu.memref_slice %arg6[%run_scoped3A_341, %run_scoped3A_342, %dma_start3A_510] : memref<6x2x128xi32, #tpu.memory_space<vmem>> -> memref<1x1x128xi32, #tpu.memory_space<vmem>>
        %dma_start3A_512 = tpu.memref_squeeze %dma_start3A_511 : memref<1x1x128xi32, #tpu.memory_space<vmem>> -> memref<128xi32, #tpu.memory_space<vmem>>
        %dma_start3A_513 = arith.constant 0 : i32
        %dma_start3A_514 = arith.constant 0 : i32
        %dma_start3A_515 = tpu.memref_slice %arg8[%dma_start3A_513, %dma_start3A_514] : memref<10000x128xf32, #tpu.memory_space<vmem_shared>> -> memref<10000x128xf32, #tpu.memory_space<vmem_shared>>
        tpu.enqueue_indirect_dma source(%dma_start3A_509 : memref<128x128xf32, #tpu.memory_space<vmem>>) target(%dma_start3A_515 : memref<10000x128xf32, #tpu.memory_space<vmem_shared>>) offsets(%dma_start3A_512 : memref<128xi32, #tpu.memory_space<vmem>>) semaphore(%run_scoped3A_505 : memref<!tpu.dma_semaphore, #tpu.memory_space<semaphore_mem>>) {add = true}
        %dma_wait3A_516 = arith.constant 0 : i32
        %dma_wait3A_517 = arith.constant 0 : i32
        %dma_wait3A_518 = tpu.memref_slice %arg7[%run_scoped3A, %dma_wait3A_516, %dma_wait3A_517] : memref<3x128x128xf32, #tpu.memory_space<vmem>> -> memref<1x128x128xf32, #tpu.memory_space<vmem>>
        %dma_wait3A_519 = tpu.memref_squeeze %dma_wait3A_518 : memref<1x128x128xf32, #tpu.memory_space<vmem>> -> memref<128x128xf32, #tpu.memory_space<vmem>>
        %dma_wait3A_520 = arith.constant 0 : i32
        %dma_wait3A_521 = tpu.memref_slice %arg6[%run_scoped3A_341, %run_scoped3A_342, %dma_wait3A_520] : memref<6x2x128xi32, #tpu.memory_space<vmem>> -> memref<1x1x128xi32, #tpu.memory_space<vmem>>
        %dma_wait3A_522 = tpu.memref_squeeze %dma_wait3A_521 : memref<1x1x128xi32, #tpu.memory_space<vmem>> -> memref<128xi32, #tpu.memory_space<vmem>>
        %dma_wait3A_523 = arith.constant 0 : i32
        %dma_wait3A_524 = arith.constant 0 : i32
        %dma_wait3A_525 = tpu.memref_slice %arg8[%dma_wait3A_523, %dma_wait3A_524] : memref<10000x128xf32, #tpu.memory_space<vmem_shared>> -> memref<10000x128xf32, #tpu.memory_space<vmem_shared>>
        tpu.wait_indirect_dma semaphore(%run_scoped3A_505 : memref<!tpu.dma_semaphore, #tpu.memory_space<semaphore_mem>>) src(%dma_wait3A_519 : memref<128x128xf32, #tpu.memory_space<vmem>>) dst(%dma_wait3A_525 : memref<10000x128xf32, #tpu.memory_space<vmem_shared>>)
        tpu.yield
      }) : () -> ()
      %add3A_343 = arith.constant 6 : i32
      %add3A_344 = arith.addi %add3A_327, %add3A_343 : i32
      %lt3A_345 = arith.cmpi slt, %add3A_344, %add3A_8 : i32
      %convert_element_type3A_346 = arith.extui %lt3A_345 : i1 to i32
      %cond3A_347 = arith.constant 0 : i32
      %cond3A_348 = arith.cmpi ne, %convert_element_type3A_346, %cond3A_347 : i32
      scf.if %cond3A_348 {
        %add3A_505 = arith.constant 6 : i32
        %add3A_506 = arith.addi %add3A_327, %add3A_505 : i32
        %add3A_507 = arith.addi %add3A_4, %add3A_506 : i32
        %mul3A_508 = arith.constant 128 : i32
        %mul3A_509 = arith.muli %add3A_507, %mul3A_508 : i32
        %dma_start3A_510 = arith.constant 0 : i32
        %dma_start3A_511 = arith.constant 0 : i32
        %dma_start3A_512 = arith.constant 0 : i32
        %dma_start3A_513 = tpu.memref_slice %arg6[%dma_start3A_510, %dma_start3A_511, %dma_start3A_512] : memref<6x2x128xi32, #tpu.memory_space<vmem>> -> memref<1x1x128xi32, #tpu.memory_space<vmem>>
        %dma_start3A_514 = tpu.memref_squeeze %dma_start3A_513 : memref<1x1x128xi32, #tpu.memory_space<vmem>> -> memref<128xi32, #tpu.memory_space<vmem>>
        %dma_start3A_515 = tpu.memref_slice %arg3[%mul3A_509] : memref<640000xi32, #tpu.memory_space<hbm>> -> memref<128xi32, #tpu.memory_space<hbm>>
        %dma_start3A_516 = arith.constant 0 : i32
        %dma_start3A_517 = tpu.memref_slice %arg6[%dma_start3A_510, %dma_start3A_511, %dma_start3A_516] : memref<6x2x128xi32, #tpu.memory_space<vmem>> -> memref<1x1x128xi32, #tpu.memory_space<vmem>>
        %dma_start3A_518 = tpu.memref_squeeze %dma_start3A_517 : memref<1x1x128xi32, #tpu.memory_space<vmem>> -> memref<128xi32, #tpu.memory_space<vmem>>
        %dma_start3A_519 = tpu.memref_slice %arg3[%mul3A_509] : memref<640000xi32, #tpu.memory_space<hbm>> -> memref<128xi32, #tpu.memory_space<hbm>>
        tpu.enqueue_dma source(%dma_start3A_519 : memref<128xi32, #tpu.memory_space<hbm>>) target(%dma_start3A_518 : memref<128xi32, #tpu.memory_space<vmem>>) target_semaphore(%arg9 : memref<!tpu.dma_semaphore, #tpu.memory_space<semaphore_mem>>)
        %add3A_520 = arith.constant 320000 : i32
        %add3A_521 = arith.addi %add3A_520, %mul3A_509 : i32
        %dma_start3A_522 = arith.constant 0 : i32
        %dma_start3A_523 = arith.constant 1 : i32
        %dma_start3A_524 = arith.constant 0 : i32
        %dma_start3A_525 = tpu.memref_slice %arg6[%dma_start3A_522, %dma_start3A_523, %dma_start3A_524] : memref<6x2x128xi32, #tpu.memory_space<vmem>> -> memref<1x1x128xi32, #tpu.memory_space<vmem>>
        %dma_start3A_526 = tpu.memref_squeeze %dma_start3A_525 : memref<1x1x128xi32, #tpu.memory_space<vmem>> -> memref<128xi32, #tpu.memory_space<vmem>>
        %dma_start3A_527 = tpu.memref_slice %arg3[%add3A_521] : memref<640000xi32, #tpu.memory_space<hbm>> -> memref<128xi32, #tpu.memory_space<hbm>>
        %dma_start3A_528 = arith.constant 0 : i32
        %dma_start3A_529 = tpu.memref_slice %arg6[%dma_start3A_522, %dma_start3A_523, %dma_start3A_528] : memref<6x2x128xi32, #tpu.memory_space<vmem>> -> memref<1x1x128xi32, #tpu.memory_space<vmem>>
        %dma_start3A_530 = tpu.memref_squeeze %dma_start3A_529 : memref<1x1x128xi32, #tpu.memory_space<vmem>> -> memref<128xi32, #tpu.memory_space<vmem>>
        %dma_start3A_531 = tpu.memref_slice %arg3[%add3A_521] : memref<640000xi32, #tpu.memory_space<hbm>> -> memref<128xi32, #tpu.memory_space<hbm>>
        tpu.enqueue_dma source(%dma_start3A_531 : memref<128xi32, #tpu.memory_space<hbm>>) target(%dma_start3A_530 : memref<128xi32, #tpu.memory_space<vmem>>) target_semaphore(%arg9 : memref<!tpu.dma_semaphore, #tpu.memory_space<semaphore_mem>>)
      } else {
      }
      %add3A_349 = arith.constant 3 : i32
      %add3A_350 = arith.addi %add3A_327, %add3A_349 : i32
      %lt3A_351 = arith.cmpi slt, %add3A_350, %add3A_8 : i32
      %convert_element_type3A_352 = arith.extui %lt3A_351 : i1 to i32
      %cond3A_353 = arith.constant 0 : i32
      %cond3A_354 = arith.cmpi ne, %convert_element_type3A_352, %cond3A_353 : i32
      scf.if %cond3A_354 {
        %add3A_505 = arith.constant 3 : i32
        %add3A_506 = arith.addi %add3A_327, %add3A_505 : i32
        %add3A_507 = arith.addi %add3A_4, %add3A_506 : i32
        %mul3A_508 = arith.constant 128 : i32
        %mul3A_509 = arith.muli %add3A_507, %mul3A_508 : i32
        %dma_wait3A_510 = arith.constant 3 : i32
        %dma_wait3A_511 = arith.constant 0 : i32
        %dma_wait3A_512 = arith.constant 0 : i32
        %dma_wait3A_513 = tpu.memref_slice %arg6[%dma_wait3A_510, %dma_wait3A_511, %dma_wait3A_512] : memref<6x2x128xi32, #tpu.memory_space<vmem>> -> memref<1x1x128xi32, #tpu.memory_space<vmem>>
        %dma_wait3A_514 = tpu.memref_squeeze %dma_wait3A_513 : memref<1x1x128xi32, #tpu.memory_space<vmem>> -> memref<128xi32, #tpu.memory_space<vmem>>
        %dma_wait3A_515 = tpu.memref_slice %arg3[%mul3A_509] : memref<640000xi32, #tpu.memory_space<hbm>> -> memref<128xi32, #tpu.memory_space<hbm>>
        %dma_wait3A_516 = arith.constant 0 : i32
        %dma_wait3A_517 = tpu.memref_slice %arg6[%dma_wait3A_510, %dma_wait3A_511, %dma_wait3A_516] : memref<6x2x128xi32, #tpu.memory_space<vmem>> -> memref<1x1x128xi32, #tpu.memory_space<vmem>>
        %dma_wait3A_518 = tpu.memref_squeeze %dma_wait3A_517 : memref<1x1x128xi32, #tpu.memory_space<vmem>> -> memref<128xi32, #tpu.memory_space<vmem>>
        %dma_wait3A_519 = tpu.memref_slice %arg3[%mul3A_509] : memref<640000xi32, #tpu.memory_space<hbm>> -> memref<128xi32, #tpu.memory_space<hbm>>
        tpu.wait_dma2 semaphore(%arg12 : memref<!tpu.dma_semaphore, #tpu.memory_space<semaphore_mem>>) src(%dma_wait3A_519 : memref<128xi32, #tpu.memory_space<hbm>>) dst(%dma_wait3A_518 : memref<128xi32, #tpu.memory_space<vmem>>)
        %add3A_520 = arith.constant 320000 : i32
        %add3A_521 = arith.addi %add3A_520, %mul3A_509 : i32
        %dma_wait3A_522 = arith.constant 3 : i32
        %dma_wait3A_523 = arith.constant 1 : i32
        %dma_wait3A_524 = arith.constant 0 : i32
        %dma_wait3A_525 = tpu.memref_slice %arg6[%dma_wait3A_522, %dma_wait3A_523, %dma_wait3A_524] : memref<6x2x128xi32, #tpu.memory_space<vmem>> -> memref<1x1x128xi32, #tpu.memory_space<vmem>>
        %dma_wait3A_526 = tpu.memref_squeeze %dma_wait3A_525 : memref<1x1x128xi32, #tpu.memory_space<vmem>> -> memref<128xi32, #tpu.memory_space<vmem>>
        %dma_wait3A_527 = tpu.memref_slice %arg3[%add3A_521] : memref<640000xi32, #tpu.memory_space<hbm>> -> memref<128xi32, #tpu.memory_space<hbm>>
        %dma_wait3A_528 = arith.constant 0 : i32
        %dma_wait3A_529 = tpu.memref_slice %arg6[%dma_wait3A_522, %dma_wait3A_523, %dma_wait3A_528] : memref<6x2x128xi32, #tpu.memory_space<vmem>> -> memref<1x1x128xi32, #tpu.memory_space<vmem>>
        %dma_wait3A_530 = tpu.memref_squeeze %dma_wait3A_529 : memref<1x1x128xi32, #tpu.memory_space<vmem>> -> memref<128xi32, #tpu.memory_space<vmem>>
        %dma_wait3A_531 = tpu.memref_slice %arg3[%add3A_521] : memref<640000xi32, #tpu.memory_space<hbm>> -> memref<128xi32, #tpu.memory_space<hbm>>
        tpu.wait_dma2 semaphore(%arg12 : memref<!tpu.dma_semaphore, #tpu.memory_space<semaphore_mem>>) src(%dma_wait3A_531 : memref<128xi32, #tpu.memory_space<hbm>>) dst(%dma_wait3A_530 : memref<128xi32, #tpu.memory_space<vmem>>)
        %dma_start3A_532 = arith.constant 3 : i32
        %dma_start3A_533 = arith.constant 0 : i32
        %dma_start3A_534 = arith.constant 0 : i32
        %dma_start3A_535 = arith.constant 0 : i32
        %dma_start3A_536 = arith.constant 0 : i32
        %dma_start3A_537 = tpu.memref_slice %arg7[%dma_start3A_534, %dma_start3A_535, %dma_start3A_536] : memref<3x128x128xf32, #tpu.memory_space<vmem>> -> memref<1x128x128xf32, #tpu.memory_space<vmem>>
        %dma_start3A_538 = tpu.memref_squeeze %dma_start3A_537 : memref<1x128x128xf32, #tpu.memory_space<vmem>> -> memref<128x128xf32, #tpu.memory_space<vmem>>
        %dma_start3A_539 = arith.constant 0 : i32
        %dma_start3A_540 = tpu.memref_slice %arg6[%dma_start3A_532, %dma_start3A_533, %dma_start3A_539] : memref<6x2x128xi32, #tpu.memory_space<vmem>> -> memref<1x1x128xi32, #tpu.memory_space<vmem>>
        %dma_start3A_541 = tpu.memref_squeeze %dma_start3A_540 : memref<1x1x128xi32, #tpu.memory_space<vmem>> -> memref<128xi32, #tpu.memory_space<vmem>>
        %dma_start3A_542 = arith.constant 0 : i32
        %dma_start3A_543 = arith.constant 0 : i32
        %dma_start3A_544 = tpu.memref_slice %arg2[%dma_start3A_542, %dma_start3A_543] : memref<10000x128xf32, #tpu.memory_space<hbm>> -> memref<10000x128xf32, #tpu.memory_space<hbm>>
        tpu.enqueue_indirect_dma source(%dma_start3A_544 : memref<10000x128xf32, #tpu.memory_space<hbm>>) target(%dma_start3A_538 : memref<128x128xf32, #tpu.memory_space<vmem>>) offsets(%dma_start3A_541 : memref<128xi32, #tpu.memory_space<vmem>>) semaphore(%arg15 : memref<!tpu.dma_semaphore, #tpu.memory_space<semaphore_mem>>)
      } else {
      }
      %add3A_355 = arith.constant 1 : i32
      %add3A_356 = arith.addi %mul3A_325, %add3A_355 : i32
      %dma_wait3A_357 = arith.constant 1 : i32
      %dma_wait3A_358 = arith.constant 0 : i32
      %dma_wait3A_359 = arith.constant 1 : i32
      %dma_wait3A_360 = arith.constant 0 : i32
      %dma_wait3A_361 = arith.constant 0 : i32
      %dma_wait3A_362 = tpu.memref_slice %arg7[%dma_wait3A_359, %dma_wait3A_360, %dma_wait3A_361] : memref<3x128x128xf32, #tpu.memory_space<vmem>> -> memref<1x128x128xf32, #tpu.memory_space<vmem>>
      %dma_wait3A_363 = tpu.memref_squeeze %dma_wait3A_362 : memref<1x128x128xf32, #tpu.memory_space<vmem>> -> memref<128x128xf32, #tpu.memory_space<vmem>>
      %dma_wait3A_364 = arith.constant 0 : i32
      %dma_wait3A_365 = tpu.memref_slice %arg6[%dma_wait3A_357, %dma_wait3A_358, %dma_wait3A_364] : memref<6x2x128xi32, #tpu.memory_space<vmem>> -> memref<1x1x128xi32, #tpu.memory_space<vmem>>
      %dma_wait3A_366 = tpu.memref_squeeze %dma_wait3A_365 : memref<1x1x128xi32, #tpu.memory_space<vmem>> -> memref<128xi32, #tpu.memory_space<vmem>>
      %dma_wait3A_367 = arith.constant 0 : i32
      %dma_wait3A_368 = arith.constant 0 : i32
      %dma_wait3A_369 = tpu.memref_slice %arg2[%dma_wait3A_367, %dma_wait3A_368] : memref<10000x128xf32, #tpu.memory_space<hbm>> -> memref<10000x128xf32, #tpu.memory_space<hbm>>
      tpu.wait_indirect_dma semaphore(%arg16 : memref<!tpu.dma_semaphore, #tpu.memory_space<semaphore_mem>>) src(%dma_wait3A_369 : memref<10000x128xf32, #tpu.memory_space<hbm>>) dst(%dma_wait3A_363 : memref<128x128xf32, #tpu.memory_space<vmem>>)
      %run_scoped3A_370 = arith.constant 1 : i32
      %run_scoped3A_371 = arith.constant 1 : i32
      %run_scoped3A_372 = arith.constant 1 : i32
      "tpu.region"() ({
        %run_scoped3A_505 = tpu.sem_alloc : memref<!tpu.dma_semaphore, #tpu.memory_space<semaphore_mem>>
        %dma_start3A_506 = arith.constant 0 : i32
        %dma_start3A_507 = arith.constant 0 : i32
        %dma_start3A_508 = tpu.memref_slice %arg7[%run_scoped3A_370, %dma_start3A_506, %dma_start3A_507] : memref<3x128x128xf32, #tpu.memory_space<vmem>> -> memref<1x128x128xf32, #tpu.memory_space<vmem>>
        %dma_start3A_509 = tpu.memref_squeeze %dma_start3A_508 : memref<1x128x128xf32, #tpu.memory_space<vmem>> -> memref<128x128xf32, #tpu.memory_space<vmem>>
        %dma_start3A_510 = arith.constant 0 : i32
        %dma_start3A_511 = tpu.memref_slice %arg6[%run_scoped3A_371, %run_scoped3A_372, %dma_start3A_510] : memref<6x2x128xi32, #tpu.memory_space<vmem>> -> memref<1x1x128xi32, #tpu.memory_space<vmem>>
        %dma_start3A_512 = tpu.memref_squeeze %dma_start3A_511 : memref<1x1x128xi32, #tpu.memory_space<vmem>> -> memref<128xi32, #tpu.memory_space<vmem>>
        %dma_start3A_513 = arith.constant 0 : i32
        %dma_start3A_514 = arith.constant 0 : i32
        %dma_start3A_515 = tpu.memref_slice %arg8[%dma_start3A_513, %dma_start3A_514] : memref<10000x128xf32, #tpu.memory_space<vmem_shared>> -> memref<10000x128xf32, #tpu.memory_space<vmem_shared>>
        tpu.enqueue_indirect_dma source(%dma_start3A_509 : memref<128x128xf32, #tpu.memory_space<vmem>>) target(%dma_start3A_515 : memref<10000x128xf32, #tpu.memory_space<vmem_shared>>) offsets(%dma_start3A_512 : memref<128xi32, #tpu.memory_space<vmem>>) semaphore(%run_scoped3A_505 : memref<!tpu.dma_semaphore, #tpu.memory_space<semaphore_mem>>) {add = true}
        %dma_wait3A_516 = arith.constant 0 : i32
        %dma_wait3A_517 = arith.constant 0 : i32
        %dma_wait3A_518 = tpu.memref_slice %arg7[%run_scoped3A_370, %dma_wait3A_516, %dma_wait3A_517] : memref<3x128x128xf32, #tpu.memory_space<vmem>> -> memref<1x128x128xf32, #tpu.memory_space<vmem>>
        %dma_wait3A_519 = tpu.memref_squeeze %dma_wait3A_518 : memref<1x128x128xf32, #tpu.memory_space<vmem>> -> memref<128x128xf32, #tpu.memory_space<vmem>>
        %dma_wait3A_520 = arith.constant 0 : i32
        %dma_wait3A_521 = tpu.memref_slice %arg6[%run_scoped3A_371, %run_scoped3A_372, %dma_wait3A_520] : memref<6x2x128xi32, #tpu.memory_space<vmem>> -> memref<1x1x128xi32, #tpu.memory_space<vmem>>
        %dma_wait3A_522 = tpu.memref_squeeze %dma_wait3A_521 : memref<1x1x128xi32, #tpu.memory_space<vmem>> -> memref<128xi32, #tpu.memory_space<vmem>>
        %dma_wait3A_523 = arith.constant 0 : i32
        %dma_wait3A_524 = arith.constant 0 : i32
        %dma_wait3A_525 = tpu.memref_slice %arg8[%dma_wait3A_523, %dma_wait3A_524] : memref<10000x128xf32, #tpu.memory_space<vmem_shared>> -> memref<10000x128xf32, #tpu.memory_space<vmem_shared>>
        tpu.wait_indirect_dma semaphore(%run_scoped3A_505 : memref<!tpu.dma_semaphore, #tpu.memory_space<semaphore_mem>>) src(%dma_wait3A_519 : memref<128x128xf32, #tpu.memory_space<vmem>>) dst(%dma_wait3A_525 : memref<10000x128xf32, #tpu.memory_space<vmem_shared>>)
        tpu.yield
      }) : () -> ()
      %add3A_373 = arith.constant 6 : i32
      %add3A_374 = arith.addi %add3A_356, %add3A_373 : i32
      %lt3A_375 = arith.cmpi slt, %add3A_374, %add3A_8 : i32
      %convert_element_type3A_376 = arith.extui %lt3A_375 : i1 to i32
      %cond3A_377 = arith.constant 0 : i32
      %cond3A_378 = arith.cmpi ne, %convert_element_type3A_376, %cond3A_377 : i32
      scf.if %cond3A_378 {
        %add3A_505 = arith.constant 6 : i32
        %add3A_506 = arith.addi %add3A_356, %add3A_505 : i32
        %add3A_507 = arith.addi %add3A_4, %add3A_506 : i32
        %mul3A_508 = arith.constant 128 : i32
        %mul3A_509 = arith.muli %add3A_507, %mul3A_508 : i32
        %dma_start3A_510 = arith.constant 1 : i32
        %dma_start3A_511 = arith.constant 0 : i32
        %dma_start3A_512 = arith.constant 0 : i32
        %dma_start3A_513 = tpu.memref_slice %arg6[%dma_start3A_510, %dma_start3A_511, %dma_start3A_512] : memref<6x2x128xi32, #tpu.memory_space<vmem>> -> memref<1x1x128xi32, #tpu.memory_space<vmem>>
        %dma_start3A_514 = tpu.memref_squeeze %dma_start3A_513 : memref<1x1x128xi32, #tpu.memory_space<vmem>> -> memref<128xi32, #tpu.memory_space<vmem>>
        %dma_start3A_515 = tpu.memref_slice %arg3[%mul3A_509] : memref<640000xi32, #tpu.memory_space<hbm>> -> memref<128xi32, #tpu.memory_space<hbm>>
        %dma_start3A_516 = arith.constant 0 : i32
        %dma_start3A_517 = tpu.memref_slice %arg6[%dma_start3A_510, %dma_start3A_511, %dma_start3A_516] : memref<6x2x128xi32, #tpu.memory_space<vmem>> -> memref<1x1x128xi32, #tpu.memory_space<vmem>>
        %dma_start3A_518 = tpu.memref_squeeze %dma_start3A_517 : memref<1x1x128xi32, #tpu.memory_space<vmem>> -> memref<128xi32, #tpu.memory_space<vmem>>
        %dma_start3A_519 = tpu.memref_slice %arg3[%mul3A_509] : memref<640000xi32, #tpu.memory_space<hbm>> -> memref<128xi32, #tpu.memory_space<hbm>>
        tpu.enqueue_dma source(%dma_start3A_519 : memref<128xi32, #tpu.memory_space<hbm>>) target(%dma_start3A_518 : memref<128xi32, #tpu.memory_space<vmem>>) target_semaphore(%arg10 : memref<!tpu.dma_semaphore, #tpu.memory_space<semaphore_mem>>)
        %add3A_520 = arith.constant 320000 : i32
        %add3A_521 = arith.addi %add3A_520, %mul3A_509 : i32
        %dma_start3A_522 = arith.constant 1 : i32
        %dma_start3A_523 = arith.constant 1 : i32
        %dma_start3A_524 = arith.constant 0 : i32
        %dma_start3A_525 = tpu.memref_slice %arg6[%dma_start3A_522, %dma_start3A_523, %dma_start3A_524] : memref<6x2x128xi32, #tpu.memory_space<vmem>> -> memref<1x1x128xi32, #tpu.memory_space<vmem>>
        %dma_start3A_526 = tpu.memref_squeeze %dma_start3A_525 : memref<1x1x128xi32, #tpu.memory_space<vmem>> -> memref<128xi32, #tpu.memory_space<vmem>>
        %dma_start3A_527 = tpu.memref_slice %arg3[%add3A_521] : memref<640000xi32, #tpu.memory_space<hbm>> -> memref<128xi32, #tpu.memory_space<hbm>>
        %dma_start3A_528 = arith.constant 0 : i32
        %dma_start3A_529 = tpu.memref_slice %arg6[%dma_start3A_522, %dma_start3A_523, %dma_start3A_528] : memref<6x2x128xi32, #tpu.memory_space<vmem>> -> memref<1x1x128xi32, #tpu.memory_space<vmem>>
        %dma_start3A_530 = tpu.memref_squeeze %dma_start3A_529 : memref<1x1x128xi32, #tpu.memory_space<vmem>> -> memref<128xi32, #tpu.memory_space<vmem>>
        %dma_start3A_531 = tpu.memref_slice %arg3[%add3A_521] : memref<640000xi32, #tpu.memory_space<hbm>> -> memref<128xi32, #tpu.memory_space<hbm>>
        tpu.enqueue_dma source(%dma_start3A_531 : memref<128xi32, #tpu.memory_space<hbm>>) target(%dma_start3A_530 : memref<128xi32, #tpu.memory_space<vmem>>) target_semaphore(%arg10 : memref<!tpu.dma_semaphore, #tpu.memory_space<semaphore_mem>>)
      } else {
      }
      %add3A_379 = arith.constant 3 : i32
      %add3A_380 = arith.addi %add3A_356, %add3A_379 : i32
      %lt3A_381 = arith.cmpi slt, %add3A_380, %add3A_8 : i32
      %convert_element_type3A_382 = arith.extui %lt3A_381 : i1 to i32
      %cond3A_383 = arith.constant 0 : i32
      %cond3A_384 = arith.cmpi ne, %convert_element_type3A_382, %cond3A_383 : i32
      scf.if %cond3A_384 {
        %add3A_505 = arith.constant 3 : i32
        %add3A_506 = arith.addi %add3A_356, %add3A_505 : i32
        %add3A_507 = arith.addi %add3A_4, %add3A_506 : i32
        %mul3A_508 = arith.constant 128 : i32
        %mul3A_509 = arith.muli %add3A_507, %mul3A_508 : i32
        %dma_wait3A_510 = arith.constant 4 : i32
        %dma_wait3A_511 = arith.constant 0 : i32
        %dma_wait3A_512 = arith.constant 0 : i32
        %dma_wait3A_513 = tpu.memref_slice %arg6[%dma_wait3A_510, %dma_wait3A_511, %dma_wait3A_512] : memref<6x2x128xi32, #tpu.memory_space<vmem>> -> memref<1x1x128xi32, #tpu.memory_space<vmem>>
        %dma_wait3A_514 = tpu.memref_squeeze %dma_wait3A_513 : memref<1x1x128xi32, #tpu.memory_space<vmem>> -> memref<128xi32, #tpu.memory_space<vmem>>
        %dma_wait3A_515 = tpu.memref_slice %arg3[%mul3A_509] : memref<640000xi32, #tpu.memory_space<hbm>> -> memref<128xi32, #tpu.memory_space<hbm>>
        %dma_wait3A_516 = arith.constant 0 : i32
        %dma_wait3A_517 = tpu.memref_slice %arg6[%dma_wait3A_510, %dma_wait3A_511, %dma_wait3A_516] : memref<6x2x128xi32, #tpu.memory_space<vmem>> -> memref<1x1x128xi32, #tpu.memory_space<vmem>>
        %dma_wait3A_518 = tpu.memref_squeeze %dma_wait3A_517 : memref<1x1x128xi32, #tpu.memory_space<vmem>> -> memref<128xi32, #tpu.memory_space<vmem>>
        %dma_wait3A_519 = tpu.memref_slice %arg3[%mul3A_509] : memref<640000xi32, #tpu.memory_space<hbm>> -> memref<128xi32, #tpu.memory_space<hbm>>
        tpu.wait_dma2 semaphore(%arg13 : memref<!tpu.dma_semaphore, #tpu.memory_space<semaphore_mem>>) src(%dma_wait3A_519 : memref<128xi32, #tpu.memory_space<hbm>>) dst(%dma_wait3A_518 : memref<128xi32, #tpu.memory_space<vmem>>)
        %add3A_520 = arith.constant 320000 : i32
        %add3A_521 = arith.addi %add3A_520, %mul3A_509 : i32
        %dma_wait3A_522 = arith.constant 4 : i32
        %dma_wait3A_523 = arith.constant 1 : i32
        %dma_wait3A_524 = arith.constant 0 : i32
        %dma_wait3A_525 = tpu.memref_slice %arg6[%dma_wait3A_522, %dma_wait3A_523, %dma_wait3A_524] : memref<6x2x128xi32, #tpu.memory_space<vmem>> -> memref<1x1x128xi32, #tpu.memory_space<vmem>>
        %dma_wait3A_526 = tpu.memref_squeeze %dma_wait3A_525 : memref<1x1x128xi32, #tpu.memory_space<vmem>> -> memref<128xi32, #tpu.memory_space<vmem>>
        %dma_wait3A_527 = tpu.memref_slice %arg3[%add3A_521] : memref<640000xi32, #tpu.memory_space<hbm>> -> memref<128xi32, #tpu.memory_space<hbm>>
        %dma_wait3A_528 = arith.constant 0 : i32
        %dma_wait3A_529 = tpu.memref_slice %arg6[%dma_wait3A_522, %dma_wait3A_523, %dma_wait3A_528] : memref<6x2x128xi32, #tpu.memory_space<vmem>> -> memref<1x1x128xi32, #tpu.memory_space<vmem>>
        %dma_wait3A_530 = tpu.memref_squeeze %dma_wait3A_529 : memref<1x1x128xi32, #tpu.memory_space<vmem>> -> memref<128xi32, #tpu.memory_space<vmem>>
        %dma_wait3A_531 = tpu.memref_slice %arg3[%add3A_521] : memref<640000xi32, #tpu.memory_space<hbm>> -> memref<128xi32, #tpu.memory_space<hbm>>
        tpu.wait_dma2 semaphore(%arg13 : memref<!tpu.dma_semaphore, #tpu.memory_space<semaphore_mem>>) src(%dma_wait3A_531 : memref<128xi32, #tpu.memory_space<hbm>>) dst(%dma_wait3A_530 : memref<128xi32, #tpu.memory_space<vmem>>)
        %dma_start3A_532 = arith.constant 4 : i32
        %dma_start3A_533 = arith.constant 0 : i32
        %dma_start3A_534 = arith.constant 1 : i32
        %dma_start3A_535 = arith.constant 0 : i32
        %dma_start3A_536 = arith.constant 0 : i32
        %dma_start3A_537 = tpu.memref_slice %arg7[%dma_start3A_534, %dma_start3A_535, %dma_start3A_536] : memref<3x128x128xf32, #tpu.memory_space<vmem>> -> memref<1x128x128xf32, #tpu.memory_space<vmem>>
        %dma_start3A_538 = tpu.memref_squeeze %dma_start3A_537 : memref<1x128x128xf32, #tpu.memory_space<vmem>> -> memref<128x128xf32, #tpu.memory_space<vmem>>
        %dma_start3A_539 = arith.constant 0 : i32
        %dma_start3A_540 = tpu.memref_slice %arg6[%dma_start3A_532, %dma_start3A_533, %dma_start3A_539] : memref<6x2x128xi32, #tpu.memory_space<vmem>> -> memref<1x1x128xi32, #tpu.memory_space<vmem>>
        %dma_start3A_541 = tpu.memref_squeeze %dma_start3A_540 : memref<1x1x128xi32, #tpu.memory_space<vmem>> -> memref<128xi32, #tpu.memory_space<vmem>>
        %dma_start3A_542 = arith.constant 0 : i32
        %dma_start3A_543 = arith.constant 0 : i32
        %dma_start3A_544 = tpu.memref_slice %arg2[%dma_start3A_542, %dma_start3A_543] : memref<10000x128xf32, #tpu.memory_space<hbm>> -> memref<10000x128xf32, #tpu.memory_space<hbm>>
        tpu.enqueue_indirect_dma source(%dma_start3A_544 : memref<10000x128xf32, #tpu.memory_space<hbm>>) target(%dma_start3A_538 : memref<128x128xf32, #tpu.memory_space<vmem>>) offsets(%dma_start3A_541 : memref<128xi32, #tpu.memory_space<vmem>>) semaphore(%arg16 : memref<!tpu.dma_semaphore, #tpu.memory_space<semaphore_mem>>)
      } else {
      }
      %add3A_385 = arith.constant 2 : i32
      %add3A_386 = arith.addi %mul3A_325, %add3A_385 : i32
      %dma_wait3A_387 = arith.constant 2 : i32
      %dma_wait3A_388 = arith.constant 0 : i32
      %dma_wait3A_389 = arith.constant 2 : i32
      %dma_wait3A_390 = arith.constant 0 : i32
      %dma_wait3A_391 = arith.constant 0 : i32
      %dma_wait3A_392 = tpu.memref_slice %arg7[%dma_wait3A_389, %dma_wait3A_390, %dma_wait3A_391] : memref<3x128x128xf32, #tpu.memory_space<vmem>> -> memref<1x128x128xf32, #tpu.memory_space<vmem>>
      %dma_wait3A_393 = tpu.memref_squeeze %dma_wait3A_392 : memref<1x128x128xf32, #tpu.memory_space<vmem>> -> memref<128x128xf32, #tpu.memory_space<vmem>>
      %dma_wait3A_394 = arith.constant 0 : i32
      %dma_wait3A_395 = tpu.memref_slice %arg6[%dma_wait3A_387, %dma_wait3A_388, %dma_wait3A_394] : memref<6x2x128xi32, #tpu.memory_space<vmem>> -> memref<1x1x128xi32, #tpu.memory_space<vmem>>
      %dma_wait3A_396 = tpu.memref_squeeze %dma_wait3A_395 : memref<1x1x128xi32, #tpu.memory_space<vmem>> -> memref<128xi32, #tpu.memory_space<vmem>>
      %dma_wait3A_397 = arith.constant 0 : i32
      %dma_wait3A_398 = arith.constant 0 : i32
      %dma_wait3A_399 = tpu.memref_slice %arg2[%dma_wait3A_397, %dma_wait3A_398] : memref<10000x128xf32, #tpu.memory_space<hbm>> -> memref<10000x128xf32, #tpu.memory_space<hbm>>
      tpu.wait_indirect_dma semaphore(%arg17 : memref<!tpu.dma_semaphore, #tpu.memory_space<semaphore_mem>>) src(%dma_wait3A_399 : memref<10000x128xf32, #tpu.memory_space<hbm>>) dst(%dma_wait3A_393 : memref<128x128xf32, #tpu.memory_space<vmem>>)
      %run_scoped3A_400 = arith.constant 2 : i32
      %run_scoped3A_401 = arith.constant 2 : i32
      %run_scoped3A_402 = arith.constant 1 : i32
      "tpu.region"() ({
        %run_scoped3A_505 = tpu.sem_alloc : memref<!tpu.dma_semaphore, #tpu.memory_space<semaphore_mem>>
        %dma_start3A_506 = arith.constant 0 : i32
        %dma_start3A_507 = arith.constant 0 : i32
        %dma_start3A_508 = tpu.memref_slice %arg7[%run_scoped3A_400, %dma_start3A_506, %dma_start3A_507] : memref<3x128x128xf32, #tpu.memory_space<vmem>> -> memref<1x128x128xf32, #tpu.memory_space<vmem>>
        %dma_start3A_509 = tpu.memref_squeeze %dma_start3A_508 : memref<1x128x128xf32, #tpu.memory_space<vmem>> -> memref<128x128xf32, #tpu.memory_space<vmem>>
        %dma_start3A_510 = arith.constant 0 : i32
        %dma_start3A_511 = tpu.memref_slice %arg6[%run_scoped3A_401, %run_scoped3A_402, %dma_start3A_510] : memref<6x2x128xi32, #tpu.memory_space<vmem>> -> memref<1x1x128xi32, #tpu.memory_space<vmem>>
        %dma_start3A_512 = tpu.memref_squeeze %dma_start3A_511 : memref<1x1x128xi32, #tpu.memory_space<vmem>> -> memref<128xi32, #tpu.memory_space<vmem>>
        %dma_start3A_513 = arith.constant 0 : i32
        %dma_start3A_514 = arith.constant 0 : i32
        %dma_start3A_515 = tpu.memref_slice %arg8[%dma_start3A_513, %dma_start3A_514] : memref<10000x128xf32, #tpu.memory_space<vmem_shared>> -> memref<10000x128xf32, #tpu.memory_space<vmem_shared>>
        tpu.enqueue_indirect_dma source(%dma_start3A_509 : memref<128x128xf32, #tpu.memory_space<vmem>>) target(%dma_start3A_515 : memref<10000x128xf32, #tpu.memory_space<vmem_shared>>) offsets(%dma_start3A_512 : memref<128xi32, #tpu.memory_space<vmem>>) semaphore(%run_scoped3A_505 : memref<!tpu.dma_semaphore, #tpu.memory_space<semaphore_mem>>) {add = true}
        %dma_wait3A_516 = arith.constant 0 : i32
        %dma_wait3A_517 = arith.constant 0 : i32
        %dma_wait3A_518 = tpu.memref_slice %arg7[%run_scoped3A_400, %dma_wait3A_516, %dma_wait3A_517] : memref<3x128x128xf32, #tpu.memory_space<vmem>> -> memref<1x128x128xf32, #tpu.memory_space<vmem>>
        %dma_wait3A_519 = tpu.memref_squeeze %dma_wait3A_518 : memref<1x128x128xf32, #tpu.memory_space<vmem>> -> memref<128x128xf32, #tpu.memory_space<vmem>>
        %dma_wait3A_520 = arith.constant 0 : i32
        %dma_wait3A_521 = tpu.memref_slice %arg6[%run_scoped3A_401, %run_scoped3A_402, %dma_wait3A_520] : memref<6x2x128xi32, #tpu.memory_space<vmem>> -> memref<1x1x128xi32, #tpu.memory_space<vmem>>
        %dma_wait3A_522 = tpu.memref_squeeze %dma_wait3A_521 : memref<1x1x128xi32, #tpu.memory_space<vmem>> -> memref<128xi32, #tpu.memory_space<vmem>>
        %dma_wait3A_523 = arith.constant 0 : i32
        %dma_wait3A_524 = arith.constant 0 : i32
        %dma_wait3A_525 = tpu.memref_slice %arg8[%dma_wait3A_523, %dma_wait3A_524] : memref<10000x128xf32, #tpu.memory_space<vmem_shared>> -> memref<10000x128xf32, #tpu.memory_space<vmem_shared>>
        tpu.wait_indirect_dma semaphore(%run_scoped3A_505 : memref<!tpu.dma_semaphore, #tpu.memory_space<semaphore_mem>>) src(%dma_wait3A_519 : memref<128x128xf32, #tpu.memory_space<vmem>>) dst(%dma_wait3A_525 : memref<10000x128xf32, #tpu.memory_space<vmem_shared>>)
        tpu.yield
      }) : () -> ()
      %add3A_403 = arith.constant 6 : i32
      %add3A_404 = arith.addi %add3A_386, %add3A_403 : i32
      %lt3A_405 = arith.cmpi slt, %add3A_404, %add3A_8 : i32
      %convert_element_type3A_406 = arith.extui %lt3A_405 : i1 to i32
      %cond3A_407 = arith.constant 0 : i32
      %cond3A_408 = arith.cmpi ne, %convert_element_type3A_406, %cond3A_407 : i32
      scf.if %cond3A_408 {
        %add3A_505 = arith.constant 6 : i32
        %add3A_506 = arith.addi %add3A_386, %add3A_505 : i32
        %add3A_507 = arith.addi %add3A_4, %add3A_506 : i32
        %mul3A_508 = arith.constant 128 : i32
        %mul3A_509 = arith.muli %add3A_507, %mul3A_508 : i32
        %dma_start3A_510 = arith.constant 2 : i32
        %dma_start3A_511 = arith.constant 0 : i32
        %dma_start3A_512 = arith.constant 0 : i32
        %dma_start3A_513 = tpu.memref_slice %arg6[%dma_start3A_510, %dma_start3A_511, %dma_start3A_512] : memref<6x2x128xi32, #tpu.memory_space<vmem>> -> memref<1x1x128xi32, #tpu.memory_space<vmem>>
        %dma_start3A_514 = tpu.memref_squeeze %dma_start3A_513 : memref<1x1x128xi32, #tpu.memory_space<vmem>> -> memref<128xi32, #tpu.memory_space<vmem>>
        %dma_start3A_515 = tpu.memref_slice %arg3[%mul3A_509] : memref<640000xi32, #tpu.memory_space<hbm>> -> memref<128xi32, #tpu.memory_space<hbm>>
        %dma_start3A_516 = arith.constant 0 : i32
        %dma_start3A_517 = tpu.memref_slice %arg6[%dma_start3A_510, %dma_start3A_511, %dma_start3A_516] : memref<6x2x128xi32, #tpu.memory_space<vmem>> -> memref<1x1x128xi32, #tpu.memory_space<vmem>>
        %dma_start3A_518 = tpu.memref_squeeze %dma_start3A_517 : memref<1x1x128xi32, #tpu.memory_space<vmem>> -> memref<128xi32, #tpu.memory_space<vmem>>
        %dma_start3A_519 = tpu.memref_slice %arg3[%mul3A_509] : memref<640000xi32, #tpu.memory_space<hbm>> -> memref<128xi32, #tpu.memory_space<hbm>>
        tpu.enqueue_dma source(%dma_start3A_519 : memref<128xi32, #tpu.memory_space<hbm>>) target(%dma_start3A_518 : memref<128xi32, #tpu.memory_space<vmem>>) target_semaphore(%arg11 : memref<!tpu.dma_semaphore, #tpu.memory_space<semaphore_mem>>)
        %add3A_520 = arith.constant 320000 : i32
        %add3A_521 = arith.addi %add3A_520, %mul3A_509 : i32
        %dma_start3A_522 = arith.constant 2 : i32
        %dma_start3A_523 = arith.constant 1 : i32
        %dma_start3A_524 = arith.constant 0 : i32
        %dma_start3A_525 = tpu.memref_slice %arg6[%dma_start3A_522, %dma_start3A_523, %dma_start3A_524] : memref<6x2x128xi32, #tpu.memory_space<vmem>> -> memref<1x1x128xi32, #tpu.memory_space<vmem>>
        %dma_start3A_526 = tpu.memref_squeeze %dma_start3A_525 : memref<1x1x128xi32, #tpu.memory_space<vmem>> -> memref<128xi32, #tpu.memory_space<vmem>>
        %dma_start3A_527 = tpu.memref_slice %arg3[%add3A_521] : memref<640000xi32, #tpu.memory_space<hbm>> -> memref<128xi32, #tpu.memory_space<hbm>>
        %dma_start3A_528 = arith.constant 0 : i32
        %dma_start3A_529 = tpu.memref_slice %arg6[%dma_start3A_522, %dma_start3A_523, %dma_start3A_528] : memref<6x2x128xi32, #tpu.memory_space<vmem>> -> memref<1x1x128xi32, #tpu.memory_space<vmem>>
        %dma_start3A_530 = tpu.memref_squeeze %dma_start3A_529 : memref<1x1x128xi32, #tpu.memory_space<vmem>> -> memref<128xi32, #tpu.memory_space<vmem>>
        %dma_start3A_531 = tpu.memref_slice %arg3[%add3A_521] : memref<640000xi32, #tpu.memory_space<hbm>> -> memref<128xi32, #tpu.memory_space<hbm>>
        tpu.enqueue_dma source(%dma_start3A_531 : memref<128xi32, #tpu.memory_space<hbm>>) target(%dma_start3A_530 : memref<128xi32, #tpu.memory_space<vmem>>) target_semaphore(%arg11 : memref<!tpu.dma_semaphore, #tpu.memory_space<semaphore_mem>>)
      } else {
      }
      %add3A_409 = arith.constant 3 : i32
      %add3A_410 = arith.addi %add3A_386, %add3A_409 : i32
      %lt3A_411 = arith.cmpi slt, %add3A_410, %add3A_8 : i32
      %convert_element_type3A_412 = arith.extui %lt3A_411 : i1 to i32
      %cond3A_413 = arith.constant 0 : i32
      %cond3A_414 = arith.cmpi ne, %convert_element_type3A_412, %cond3A_413 : i32
      scf.if %cond3A_414 {
        %add3A_505 = arith.constant 3 : i32
        %add3A_506 = arith.addi %add3A_386, %add3A_505 : i32
        %add3A_507 = arith.addi %add3A_4, %add3A_506 : i32
        %mul3A_508 = arith.constant 128 : i32
        %mul3A_509 = arith.muli %add3A_507, %mul3A_508 : i32
        %dma_wait3A_510 = arith.constant 5 : i32
        %dma_wait3A_511 = arith.constant 0 : i32
        %dma_wait3A_512 = arith.constant 0 : i32
        %dma_wait3A_513 = tpu.memref_slice %arg6[%dma_wait3A_510, %dma_wait3A_511, %dma_wait3A_512] : memref<6x2x128xi32, #tpu.memory_space<vmem>> -> memref<1x1x128xi32, #tpu.memory_space<vmem>>
        %dma_wait3A_514 = tpu.memref_squeeze %dma_wait3A_513 : memref<1x1x128xi32, #tpu.memory_space<vmem>> -> memref<128xi32, #tpu.memory_space<vmem>>
        %dma_wait3A_515 = tpu.memref_slice %arg3[%mul3A_509] : memref<640000xi32, #tpu.memory_space<hbm>> -> memref<128xi32, #tpu.memory_space<hbm>>
        %dma_wait3A_516 = arith.constant 0 : i32
        %dma_wait3A_517 = tpu.memref_slice %arg6[%dma_wait3A_510, %dma_wait3A_511, %dma_wait3A_516] : memref<6x2x128xi32, #tpu.memory_space<vmem>> -> memref<1x1x128xi32, #tpu.memory_space<vmem>>
        %dma_wait3A_518 = tpu.memref_squeeze %dma_wait3A_517 : memref<1x1x128xi32, #tpu.memory_space<vmem>> -> memref<128xi32, #tpu.memory_space<vmem>>
        %dma_wait3A_519 = tpu.memref_slice %arg3[%mul3A_509] : memref<640000xi32, #tpu.memory_space<hbm>> -> memref<128xi32, #tpu.memory_space<hbm>>
        tpu.wait_dma2 semaphore(%arg14 : memref<!tpu.dma_semaphore, #tpu.memory_space<semaphore_mem>>) src(%dma_wait3A_519 : memref<128xi32, #tpu.memory_space<hbm>>) dst(%dma_wait3A_518 : memref<128xi32, #tpu.memory_space<vmem>>)
        %add3A_520 = arith.constant 320000 : i32
        %add3A_521 = arith.addi %add3A_520, %mul3A_509 : i32
        %dma_wait3A_522 = arith.constant 5 : i32
        %dma_wait3A_523 = arith.constant 1 : i32
        %dma_wait3A_524 = arith.constant 0 : i32
        %dma_wait3A_525 = tpu.memref_slice %arg6[%dma_wait3A_522, %dma_wait3A_523, %dma_wait3A_524] : memref<6x2x128xi32, #tpu.memory_space<vmem>> -> memref<1x1x128xi32, #tpu.memory_space<vmem>>
        %dma_wait3A_526 = tpu.memref_squeeze %dma_wait3A_525 : memref<1x1x128xi32, #tpu.memory_space<vmem>> -> memref<128xi32, #tpu.memory_space<vmem>>
        %dma_wait3A_527 = tpu.memref_slice %arg3[%add3A_521] : memref<640000xi32, #tpu.memory_space<hbm>> -> memref<128xi32, #tpu.memory_space<hbm>>
        %dma_wait3A_528 = arith.constant 0 : i32
        %dma_wait3A_529 = tpu.memref_slice %arg6[%dma_wait3A_522, %dma_wait3A_523, %dma_wait3A_528] : memref<6x2x128xi32, #tpu.memory_space<vmem>> -> memref<1x1x128xi32, #tpu.memory_space<vmem>>
        %dma_wait3A_530 = tpu.memref_squeeze %dma_wait3A_529 : memref<1x1x128xi32, #tpu.memory_space<vmem>> -> memref<128xi32, #tpu.memory_space<vmem>>
        %dma_wait3A_531 = tpu.memref_slice %arg3[%add3A_521] : memref<640000xi32, #tpu.memory_space<hbm>> -> memref<128xi32, #tpu.memory_space<hbm>>
        tpu.wait_dma2 semaphore(%arg14 : memref<!tpu.dma_semaphore, #tpu.memory_space<semaphore_mem>>) src(%dma_wait3A_531 : memref<128xi32, #tpu.memory_space<hbm>>) dst(%dma_wait3A_530 : memref<128xi32, #tpu.memory_space<vmem>>)
        %dma_start3A_532 = arith.constant 5 : i32
        %dma_start3A_533 = arith.constant 0 : i32
        %dma_start3A_534 = arith.constant 2 : i32
        %dma_start3A_535 = arith.constant 0 : i32
        %dma_start3A_536 = arith.constant 0 : i32
        %dma_start3A_537 = tpu.memref_slice %arg7[%dma_start3A_534, %dma_start3A_535, %dma_start3A_536] : memref<3x128x128xf32, #tpu.memory_space<vmem>> -> memref<1x128x128xf32, #tpu.memory_space<vmem>>
        %dma_start3A_538 = tpu.memref_squeeze %dma_start3A_537 : memref<1x128x128xf32, #tpu.memory_space<vmem>> -> memref<128x128xf32, #tpu.memory_space<vmem>>
        %dma_start3A_539 = arith.constant 0 : i32
        %dma_start3A_540 = tpu.memref_slice %arg6[%dma_start3A_532, %dma_start3A_533, %dma_start3A_539] : memref<6x2x128xi32, #tpu.memory_space<vmem>> -> memref<1x1x128xi32, #tpu.memory_space<vmem>>
        %dma_start3A_541 = tpu.memref_squeeze %dma_start3A_540 : memref<1x1x128xi32, #tpu.memory_space<vmem>> -> memref<128xi32, #tpu.memory_space<vmem>>
        %dma_start3A_542 = arith.constant 0 : i32
        %dma_start3A_543 = arith.constant 0 : i32
        %dma_start3A_544 = tpu.memref_slice %arg2[%dma_start3A_542, %dma_start3A_543] : memref<10000x128xf32, #tpu.memory_space<hbm>> -> memref<10000x128xf32, #tpu.memory_space<hbm>>
        tpu.enqueue_indirect_dma source(%dma_start3A_544 : memref<10000x128xf32, #tpu.memory_space<hbm>>) target(%dma_start3A_538 : memref<128x128xf32, #tpu.memory_space<vmem>>) offsets(%dma_start3A_541 : memref<128xi32, #tpu.memory_space<vmem>>) semaphore(%arg17 : memref<!tpu.dma_semaphore, #tpu.memory_space<semaphore_mem>>)
      } else {
      }
      %add3A_415 = arith.constant 3 : i32
      %add3A_416 = arith.addi %mul3A_325, %add3A_415 : i32
      %dma_wait3A_417 = arith.constant 3 : i32
      %dma_wait3A_418 = arith.constant 0 : i32
      %dma_wait3A_419 = arith.constant 0 : i32
      %dma_wait3A_420 = arith.constant 0 : i32
      %dma_wait3A_421 = arith.constant 0 : i32
      %dma_wait3A_422 = tpu.memref_slice %arg7[%dma_wait3A_419, %dma_wait3A_420, %dma_wait3A_421] : memref<3x128x128xf32, #tpu.memory_space<vmem>> -> memref<1x128x128xf32, #tpu.memory_space<vmem>>
      %dma_wait3A_423 = tpu.memref_squeeze %dma_wait3A_422 : memref<1x128x128xf32, #tpu.memory_space<vmem>> -> memref<128x128xf32, #tpu.memory_space<vmem>>
      %dma_wait3A_424 = arith.constant 0 : i32
      %dma_wait3A_425 = tpu.memref_slice %arg6[%dma_wait3A_417, %dma_wait3A_418, %dma_wait3A_424] : memref<6x2x128xi32, #tpu.memory_space<vmem>> -> memref<1x1x128xi32, #tpu.memory_space<vmem>>
      %dma_wait3A_426 = tpu.memref_squeeze %dma_wait3A_425 : memref<1x1x128xi32, #tpu.memory_space<vmem>> -> memref<128xi32, #tpu.memory_space<vmem>>
      %dma_wait3A_427 = arith.constant 0 : i32
      %dma_wait3A_428 = arith.constant 0 : i32
      %dma_wait3A_429 = tpu.memref_slice %arg2[%dma_wait3A_427, %dma_wait3A_428] : memref<10000x128xf32, #tpu.memory_space<hbm>> -> memref<10000x128xf32, #tpu.memory_space<hbm>>
      tpu.wait_indirect_dma semaphore(%arg15 : memref<!tpu.dma_semaphore, #tpu.memory_space<semaphore_mem>>) src(%dma_wait3A_429 : memref<10000x128xf32, #tpu.memory_space<hbm>>) dst(%dma_wait3A_423 : memref<128x128xf32, #tpu.memory_space<vmem>>)
      %run_scoped3A_430 = arith.constant 0 : i32
      %run_scoped3A_431 = arith.constant 3 : i32
      %run_scoped3A_432 = arith.constant 1 : i32
      "tpu.region"() ({
        %run_scoped3A_505 = tpu.sem_alloc : memref<!tpu.dma_semaphore, #tpu.memory_space<semaphore_mem>>
        %dma_start3A_506 = arith.constant 0 : i32
        %dma_start3A_507 = arith.constant 0 : i32
        %dma_start3A_508 = tpu.memref_slice %arg7[%run_scoped3A_430, %dma_start3A_506, %dma_start3A_507] : memref<3x128x128xf32, #tpu.memory_space<vmem>> -> memref<1x128x128xf32, #tpu.memory_space<vmem>>
        %dma_start3A_509 = tpu.memref_squeeze %dma_start3A_508 : memref<1x128x128xf32, #tpu.memory_space<vmem>> -> memref<128x128xf32, #tpu.memory_space<vmem>>
        %dma_start3A_510 = arith.constant 0 : i32
        %dma_start3A_511 = tpu.memref_slice %arg6[%run_scoped3A_431, %run_scoped3A_432, %dma_start3A_510] : memref<6x2x128xi32, #tpu.memory_space<vmem>> -> memref<1x1x128xi32, #tpu.memory_space<vmem>>
        %dma_start3A_512 = tpu.memref_squeeze %dma_start3A_511 : memref<1x1x128xi32, #tpu.memory_space<vmem>> -> memref<128xi32, #tpu.memory_space<vmem>>
        %dma_start3A_513 = arith.constant 0 : i32
        %dma_start3A_514 = arith.constant 0 : i32
        %dma_start3A_515 = tpu.memref_slice %arg8[%dma_start3A_513, %dma_start3A_514] : memref<10000x128xf32, #tpu.memory_space<vmem_shared>> -> memref<10000x128xf32, #tpu.memory_space<vmem_shared>>
        tpu.enqueue_indirect_dma source(%dma_start3A_509 : memref<128x128xf32, #tpu.memory_space<vmem>>) target(%dma_start3A_515 : memref<10000x128xf32, #tpu.memory_space<vmem_shared>>) offsets(%dma_start3A_512 : memref<128xi32, #tpu.memory_space<vmem>>) semaphore(%run_scoped3A_505 : memref<!tpu.dma_semaphore, #tpu.memory_space<semaphore_mem>>) {add = true}
        %dma_wait3A_516 = arith.constant 0 : i32
        %dma_wait3A_517 = arith.constant 0 : i32
        %dma_wait3A_518 = tpu.memref_slice %arg7[%run_scoped3A_430, %dma_wait3A_516, %dma_wait3A_517] : memref<3x128x128xf32, #tpu.memory_space<vmem>> -> memref<1x128x128xf32, #tpu.memory_space<vmem>>
        %dma_wait3A_519 = tpu.memref_squeeze %dma_wait3A_518 : memref<1x128x128xf32, #tpu.memory_space<vmem>> -> memref<128x128xf32, #tpu.memory_space<vmem>>
        %dma_wait3A_520 = arith.constant 0 : i32
        %dma_wait3A_521 = tpu.memref_slice %arg6[%run_scoped3A_431, %run_scoped3A_432, %dma_wait3A_520] : memref<6x2x128xi32, #tpu.memory_space<vmem>> -> memref<1x1x128xi32, #tpu.memory_space<vmem>>
        %dma_wait3A_522 = tpu.memref_squeeze %dma_wait3A_521 : memref<1x1x128xi32, #tpu.memory_space<vmem>> -> memref<128xi32, #tpu.memory_space<vmem>>
        %dma_wait3A_523 = arith.constant 0 : i32
        %dma_wait3A_524 = arith.constant 0 : i32
        %dma_wait3A_525 = tpu.memref_slice %arg8[%dma_wait3A_523, %dma_wait3A_524] : memref<10000x128xf32, #tpu.memory_space<vmem_shared>> -> memref<10000x128xf32, #tpu.memory_space<vmem_shared>>
        tpu.wait_indirect_dma semaphore(%run_scoped3A_505 : memref<!tpu.dma_semaphore, #tpu.memory_space<semaphore_mem>>) src(%dma_wait3A_519 : memref<128x128xf32, #tpu.memory_space<vmem>>) dst(%dma_wait3A_525 : memref<10000x128xf32, #tpu.memory_space<vmem_shared>>)
        tpu.yield
      }) : () -> ()
      %add3A_433 = arith.constant 6 : i32
      %add3A_434 = arith.addi %add3A_416, %add3A_433 : i32
      %lt3A_435 = arith.cmpi slt, %add3A_434, %add3A_8 : i32
      %convert_element_type3A_436 = arith.extui %lt3A_435 : i1 to i32
      %cond3A_437 = arith.constant 0 : i32
      %cond3A_438 = arith.cmpi ne, %convert_element_type3A_436, %cond3A_437 : i32
      scf.if %cond3A_438 {
        %add3A_505 = arith.constant 6 : i32
        %add3A_506 = arith.addi %add3A_416, %add3A_505 : i32
        %add3A_507 = arith.addi %add3A_4, %add3A_506 : i32
        %mul3A_508 = arith.constant 128 : i32
        %mul3A_509 = arith.muli %add3A_507, %mul3A_508 : i32
        %dma_start3A_510 = arith.constant 3 : i32
        %dma_start3A_511 = arith.constant 0 : i32
        %dma_start3A_512 = arith.constant 0 : i32
        %dma_start3A_513 = tpu.memref_slice %arg6[%dma_start3A_510, %dma_start3A_511, %dma_start3A_512] : memref<6x2x128xi32, #tpu.memory_space<vmem>> -> memref<1x1x128xi32, #tpu.memory_space<vmem>>
        %dma_start3A_514 = tpu.memref_squeeze %dma_start3A_513 : memref<1x1x128xi32, #tpu.memory_space<vmem>> -> memref<128xi32, #tpu.memory_space<vmem>>
        %dma_start3A_515 = tpu.memref_slice %arg3[%mul3A_509] : memref<640000xi32, #tpu.memory_space<hbm>> -> memref<128xi32, #tpu.memory_space<hbm>>
        %dma_start3A_516 = arith.constant 0 : i32
        %dma_start3A_517 = tpu.memref_slice %arg6[%dma_start3A_510, %dma_start3A_511, %dma_start3A_516] : memref<6x2x128xi32, #tpu.memory_space<vmem>> -> memref<1x1x128xi32, #tpu.memory_space<vmem>>
        %dma_start3A_518 = tpu.memref_squeeze %dma_start3A_517 : memref<1x1x128xi32, #tpu.memory_space<vmem>> -> memref<128xi32, #tpu.memory_space<vmem>>
        %dma_start3A_519 = tpu.memref_slice %arg3[%mul3A_509] : memref<640000xi32, #tpu.memory_space<hbm>> -> memref<128xi32, #tpu.memory_space<hbm>>
        tpu.enqueue_dma source(%dma_start3A_519 : memref<128xi32, #tpu.memory_space<hbm>>) target(%dma_start3A_518 : memref<128xi32, #tpu.memory_space<vmem>>) target_semaphore(%arg12 : memref<!tpu.dma_semaphore, #tpu.memory_space<semaphore_mem>>)
        %add3A_520 = arith.constant 320000 : i32
        %add3A_521 = arith.addi %add3A_520, %mul3A_509 : i32
        %dma_start3A_522 = arith.constant 3 : i32
        %dma_start3A_523 = arith.constant 1 : i32
        %dma_start3A_524 = arith.constant 0 : i32
        %dma_start3A_525 = tpu.memref_slice %arg6[%dma_start3A_522, %dma_start3A_523, %dma_start3A_524] : memref<6x2x128xi32, #tpu.memory_space<vmem>> -> memref<1x1x128xi32, #tpu.memory_space<vmem>>
        %dma_start3A_526 = tpu.memref_squeeze %dma_start3A_525 : memref<1x1x128xi32, #tpu.memory_space<vmem>> -> memref<128xi32, #tpu.memory_space<vmem>>
        %dma_start3A_527 = tpu.memref_slice %arg3[%add3A_521] : memref<640000xi32, #tpu.memory_space<hbm>> -> memref<128xi32, #tpu.memory_space<hbm>>
        %dma_start3A_528 = arith.constant 0 : i32
        %dma_start3A_529 = tpu.memref_slice %arg6[%dma_start3A_522, %dma_start3A_523, %dma_start3A_528] : memref<6x2x128xi32, #tpu.memory_space<vmem>> -> memref<1x1x128xi32, #tpu.memory_space<vmem>>
        %dma_start3A_530 = tpu.memref_squeeze %dma_start3A_529 : memref<1x1x128xi32, #tpu.memory_space<vmem>> -> memref<128xi32, #tpu.memory_space<vmem>>
        %dma_start3A_531 = tpu.memref_slice %arg3[%add3A_521] : memref<640000xi32, #tpu.memory_space<hbm>> -> memref<128xi32, #tpu.memory_space<hbm>>
        tpu.enqueue_dma source(%dma_start3A_531 : memref<128xi32, #tpu.memory_space<hbm>>) target(%dma_start3A_530 : memref<128xi32, #tpu.memory_space<vmem>>) target_semaphore(%arg12 : memref<!tpu.dma_semaphore, #tpu.memory_space<semaphore_mem>>)
      } else {
      }
      %add3A_439 = arith.constant 3 : i32
      %add3A_440 = arith.addi %add3A_416, %add3A_439 : i32
      %lt3A_441 = arith.cmpi slt, %add3A_440, %add3A_8 : i32
      %convert_element_type3A_442 = arith.extui %lt3A_441 : i1 to i32
      %cond3A_443 = arith.constant 0 : i32
      %cond3A_444 = arith.cmpi ne, %convert_element_type3A_442, %cond3A_443 : i32
      scf.if %cond3A_444 {
        %add3A_505 = arith.constant 3 : i32
        %add3A_506 = arith.addi %add3A_416, %add3A_505 : i32
        %add3A_507 = arith.addi %add3A_4, %add3A_506 : i32
        %mul3A_508 = arith.constant 128 : i32
        %mul3A_509 = arith.muli %add3A_507, %mul3A_508 : i32
        %dma_wait3A_510 = arith.constant 0 : i32
        %dma_wait3A_511 = arith.constant 0 : i32
        %dma_wait3A_512 = arith.constant 0 : i32
        %dma_wait3A_513 = tpu.memref_slice %arg6[%dma_wait3A_510, %dma_wait3A_511, %dma_wait3A_512] : memref<6x2x128xi32, #tpu.memory_space<vmem>> -> memref<1x1x128xi32, #tpu.memory_space<vmem>>
        %dma_wait3A_514 = tpu.memref_squeeze %dma_wait3A_513 : memref<1x1x128xi32, #tpu.memory_space<vmem>> -> memref<128xi32, #tpu.memory_space<vmem>>
        %dma_wait3A_515 = tpu.memref_slice %arg3[%mul3A_509] : memref<640000xi32, #tpu.memory_space<hbm>> -> memref<128xi32, #tpu.memory_space<hbm>>
        %dma_wait3A_516 = arith.constant 0 : i32
        %dma_wait3A_517 = tpu.memref_slice %arg6[%dma_wait3A_510, %dma_wait3A_511, %dma_wait3A_516] : memref<6x2x128xi32, #tpu.memory_space<vmem>> -> memref<1x1x128xi32, #tpu.memory_space<vmem>>
        %dma_wait3A_518 = tpu.memref_squeeze %dma_wait3A_517 : memref<1x1x128xi32, #tpu.memory_space<vmem>> -> memref<128xi32, #tpu.memory_space<vmem>>
        %dma_wait3A_519 = tpu.memref_slice %arg3[%mul3A_509] : memref<640000xi32, #tpu.memory_space<hbm>> -> memref<128xi32, #tpu.memory_space<hbm>>
        tpu.wait_dma2 semaphore(%arg9 : memref<!tpu.dma_semaphore, #tpu.memory_space<semaphore_mem>>) src(%dma_wait3A_519 : memref<128xi32, #tpu.memory_space<hbm>>) dst(%dma_wait3A_518 : memref<128xi32, #tpu.memory_space<vmem>>)
        %add3A_520 = arith.constant 320000 : i32
        %add3A_521 = arith.addi %add3A_520, %mul3A_509 : i32
        %dma_wait3A_522 = arith.constant 0 : i32
        %dma_wait3A_523 = arith.constant 1 : i32
        %dma_wait3A_524 = arith.constant 0 : i32
        %dma_wait3A_525 = tpu.memref_slice %arg6[%dma_wait3A_522, %dma_wait3A_523, %dma_wait3A_524] : memref<6x2x128xi32, #tpu.memory_space<vmem>> -> memref<1x1x128xi32, #tpu.memory_space<vmem>>
        %dma_wait3A_526 = tpu.memref_squeeze %dma_wait3A_525 : memref<1x1x128xi32, #tpu.memory_space<vmem>> -> memref<128xi32, #tpu.memory_space<vmem>>
        %dma_wait3A_527 = tpu.memref_slice %arg3[%add3A_521] : memref<640000xi32, #tpu.memory_space<hbm>> -> memref<128xi32, #tpu.memory_space<hbm>>
        %dma_wait3A_528 = arith.constant 0 : i32
        %dma_wait3A_529 = tpu.memref_slice %arg6[%dma_wait3A_522, %dma_wait3A_523, %dma_wait3A_528] : memref<6x2x128xi32, #tpu.memory_space<vmem>> -> memref<1x1x128xi32, #tpu.memory_space<vmem>>
        %dma_wait3A_530 = tpu.memref_squeeze %dma_wait3A_529 : memref<1x1x128xi32, #tpu.memory_space<vmem>> -> memref<128xi32, #tpu.memory_space<vmem>>
        %dma_wait3A_531 = tpu.memref_slice %arg3[%add3A_521] : memref<640000xi32, #tpu.memory_space<hbm>> -> memref<128xi32, #tpu.memory_space<hbm>>
        tpu.wait_dma2 semaphore(%arg9 : memref<!tpu.dma_semaphore, #tpu.memory_space<semaphore_mem>>) src(%dma_wait3A_531 : memref<128xi32, #tpu.memory_space<hbm>>) dst(%dma_wait3A_530 : memref<128xi32, #tpu.memory_space<vmem>>)
        %dma_start3A_532 = arith.constant 0 : i32
        %dma_start3A_533 = arith.constant 0 : i32
        %dma_start3A_534 = arith.constant 0 : i32
        %dma_start3A_535 = arith.constant 0 : i32
        %dma_start3A_536 = arith.constant 0 : i32
        %dma_start3A_537 = tpu.memref_slice %arg7[%dma_start3A_534, %dma_start3A_535, %dma_start3A_536] : memref<3x128x128xf32, #tpu.memory_space<vmem>> -> memref<1x128x128xf32, #tpu.memory_space<vmem>>
        %dma_start3A_538 = tpu.memref_squeeze %dma_start3A_537 : memref<1x128x128xf32, #tpu.memory_space<vmem>> -> memref<128x128xf32, #tpu.memory_space<vmem>>
        %dma_start3A_539 = arith.constant 0 : i32
        %dma_start3A_540 = tpu.memref_slice %arg6[%dma_start3A_532, %dma_start3A_533, %dma_start3A_539] : memref<6x2x128xi32, #tpu.memory_space<vmem>> -> memref<1x1x128xi32, #tpu.memory_space<vmem>>
        %dma_start3A_541 = tpu.memref_squeeze %dma_start3A_540 : memref<1x1x128xi32, #tpu.memory_space<vmem>> -> memref<128xi32, #tpu.memory_space<vmem>>
        %dma_start3A_542 = arith.constant 0 : i32
        %dma_start3A_543 = arith.constant 0 : i32
        %dma_start3A_544 = tpu.memref_slice %arg2[%dma_start3A_542, %dma_start3A_543] : memref<10000x128xf32, #tpu.memory_space<hbm>> -> memref<10000x128xf32, #tpu.memory_space<hbm>>
        tpu.enqueue_indirect_dma source(%dma_start3A_544 : memref<10000x128xf32, #tpu.memory_space<hbm>>) target(%dma_start3A_538 : memref<128x128xf32, #tpu.memory_space<vmem>>) offsets(%dma_start3A_541 : memref<128xi32, #tpu.memory_space<vmem>>) semaphore(%arg15 : memref<!tpu.dma_semaphore, #tpu.memory_space<semaphore_mem>>)
      } else {
      }
      %add3A_445 = arith.constant 4 : i32
      %add3A_446 = arith.addi %mul3A_325, %add3A_445 : i32
      %dma_wait3A_447 = arith.constant 4 : i32
      %dma_wait3A_448 = arith.constant 0 : i32
      %dma_wait3A_449 = arith.constant 1 : i32
      %dma_wait3A_450 = arith.constant 0 : i32
      %dma_wait3A_451 = arith.constant 0 : i32
      %dma_wait3A_452 = tpu.memref_slice %arg7[%dma_wait3A_449, %dma_wait3A_450, %dma_wait3A_451] : memref<3x128x128xf32, #tpu.memory_space<vmem>> -> memref<1x128x128xf32, #tpu.memory_space<vmem>>
      %dma_wait3A_453 = tpu.memref_squeeze %dma_wait3A_452 : memref<1x128x128xf32, #tpu.memory_space<vmem>> -> memref<128x128xf32, #tpu.memory_space<vmem>>
      %dma_wait3A_454 = arith.constant 0 : i32
      %dma_wait3A_455 = tpu.memref_slice %arg6[%dma_wait3A_447, %dma_wait3A_448, %dma_wait3A_454] : memref<6x2x128xi32, #tpu.memory_space<vmem>> -> memref<1x1x128xi32, #tpu.memory_space<vmem>>
      %dma_wait3A_456 = tpu.memref_squeeze %dma_wait3A_455 : memref<1x1x128xi32, #tpu.memory_space<vmem>> -> memref<128xi32, #tpu.memory_space<vmem>>
      %dma_wait3A_457 = arith.constant 0 : i32
      %dma_wait3A_458 = arith.constant 0 : i32
      %dma_wait3A_459 = tpu.memref_slice %arg2[%dma_wait3A_457, %dma_wait3A_458] : memref<10000x128xf32, #tpu.memory_space<hbm>> -> memref<10000x128xf32, #tpu.memory_space<hbm>>
      tpu.wait_indirect_dma semaphore(%arg16 : memref<!tpu.dma_semaphore, #tpu.memory_space<semaphore_mem>>) src(%dma_wait3A_459 : memref<10000x128xf32, #tpu.memory_space<hbm>>) dst(%dma_wait3A_453 : memref<128x128xf32, #tpu.memory_space<vmem>>)
      %run_scoped3A_460 = arith.constant 1 : i32
      %run_scoped3A_461 = arith.constant 4 : i32
      %run_scoped3A_462 = arith.constant 1 : i32
      "tpu.region"() ({
        %run_scoped3A_505 = tpu.sem_alloc : memref<!tpu.dma_semaphore, #tpu.memory_space<semaphore_mem>>
        %dma_start3A_506 = arith.constant 0 : i32
        %dma_start3A_507 = arith.constant 0 : i32
        %dma_start3A_508 = tpu.memref_slice %arg7[%run_scoped3A_460, %dma_start3A_506, %dma_start3A_507] : memref<3x128x128xf32, #tpu.memory_space<vmem>> -> memref<1x128x128xf32, #tpu.memory_space<vmem>>
        %dma_start3A_509 = tpu.memref_squeeze %dma_start3A_508 : memref<1x128x128xf32, #tpu.memory_space<vmem>> -> memref<128x128xf32, #tpu.memory_space<vmem>>
        %dma_start3A_510 = arith.constant 0 : i32
        %dma_start3A_511 = tpu.memref_slice %arg6[%run_scoped3A_461, %run_scoped3A_462, %dma_start3A_510] : memref<6x2x128xi32, #tpu.memory_space<vmem>> -> memref<1x1x128xi32, #tpu.memory_space<vmem>>
        %dma_start3A_512 = tpu.memref_squeeze %dma_start3A_511 : memref<1x1x128xi32, #tpu.memory_space<vmem>> -> memref<128xi32, #tpu.memory_space<vmem>>
        %dma_start3A_513 = arith.constant 0 : i32
        %dma_start3A_514 = arith.constant 0 : i32
        %dma_start3A_515 = tpu.memref_slice %arg8[%dma_start3A_513, %dma_start3A_514] : memref<10000x128xf32, #tpu.memory_space<vmem_shared>> -> memref<10000x128xf32, #tpu.memory_space<vmem_shared>>
        tpu.enqueue_indirect_dma source(%dma_start3A_509 : memref<128x128xf32, #tpu.memory_space<vmem>>) target(%dma_start3A_515 : memref<10000x128xf32, #tpu.memory_space<vmem_shared>>) offsets(%dma_start3A_512 : memref<128xi32, #tpu.memory_space<vmem>>) semaphore(%run_scoped3A_505 : memref<!tpu.dma_semaphore, #tpu.memory_space<semaphore_mem>>) {add = true}
        %dma_wait3A_516 = arith.constant 0 : i32
        %dma_wait3A_517 = arith.constant 0 : i32
        %dma_wait3A_518 = tpu.memref_slice %arg7[%run_scoped3A_460, %dma_wait3A_516, %dma_wait3A_517] : memref<3x128x128xf32, #tpu.memory_space<vmem>> -> memref<1x128x128xf32, #tpu.memory_space<vmem>>
        %dma_wait3A_519 = tpu.memref_squeeze %dma_wait3A_518 : memref<1x128x128xf32, #tpu.memory_space<vmem>> -> memref<128x128xf32, #tpu.memory_space<vmem>>
        %dma_wait3A_520 = arith.constant 0 : i32
        %dma_wait3A_521 = tpu.memref_slice %arg6[%run_scoped3A_461, %run_scoped3A_462, %dma_wait3A_520] : memref<6x2x128xi32, #tpu.memory_space<vmem>> -> memref<1x1x128xi32, #tpu.memory_space<vmem>>
        %dma_wait3A_522 = tpu.memref_squeeze %dma_wait3A_521 : memref<1x1x128xi32, #tpu.memory_space<vmem>> -> memref<128xi32, #tpu.memory_space<vmem>>
        %dma_wait3A_523 = arith.constant 0 : i32
        %dma_wait3A_524 = arith.constant 0 : i32
        %dma_wait3A_525 = tpu.memref_slice %arg8[%dma_wait3A_523, %dma_wait3A_524] : memref<10000x128xf32, #tpu.memory_space<vmem_shared>> -> memref<10000x128xf32, #tpu.memory_space<vmem_shared>>
        tpu.wait_indirect_dma semaphore(%run_scoped3A_505 : memref<!tpu.dma_semaphore, #tpu.memory_space<semaphore_mem>>) src(%dma_wait3A_519 : memref<128x128xf32, #tpu.memory_space<vmem>>) dst(%dma_wait3A_525 : memref<10000x128xf32, #tpu.memory_space<vmem_shared>>)
        tpu.yield
      }) : () -> ()
      %add3A_463 = arith.constant 6 : i32
      %add3A_464 = arith.addi %add3A_446, %add3A_463 : i32
      %lt3A_465 = arith.cmpi slt, %add3A_464, %add3A_8 : i32
      %convert_element_type3A_466 = arith.extui %lt3A_465 : i1 to i32
      %cond3A_467 = arith.constant 0 : i32
      %cond3A_468 = arith.cmpi ne, %convert_element_type3A_466, %cond3A_467 : i32
      scf.if %cond3A_468 {
        %add3A_505 = arith.constant 6 : i32
        %add3A_506 = arith.addi %add3A_446, %add3A_505 : i32
        %add3A_507 = arith.addi %add3A_4, %add3A_506 : i32
        %mul3A_508 = arith.constant 128 : i32
        %mul3A_509 = arith.muli %add3A_507, %mul3A_508 : i32
        %dma_start3A_510 = arith.constant 4 : i32
        %dma_start3A_511 = arith.constant 0 : i32
        %dma_start3A_512 = arith.constant 0 : i32
        %dma_start3A_513 = tpu.memref_slice %arg6[%dma_start3A_510, %dma_start3A_511, %dma_start3A_512] : memref<6x2x128xi32, #tpu.memory_space<vmem>> -> memref<1x1x128xi32, #tpu.memory_space<vmem>>
        %dma_start3A_514 = tpu.memref_squeeze %dma_start3A_513 : memref<1x1x128xi32, #tpu.memory_space<vmem>> -> memref<128xi32, #tpu.memory_space<vmem>>
        %dma_start3A_515 = tpu.memref_slice %arg3[%mul3A_509] : memref<640000xi32, #tpu.memory_space<hbm>> -> memref<128xi32, #tpu.memory_space<hbm>>
        %dma_start3A_516 = arith.constant 0 : i32
        %dma_start3A_517 = tpu.memref_slice %arg6[%dma_start3A_510, %dma_start3A_511, %dma_start3A_516] : memref<6x2x128xi32, #tpu.memory_space<vmem>> -> memref<1x1x128xi32, #tpu.memory_space<vmem>>
        %dma_start3A_518 = tpu.memref_squeeze %dma_start3A_517 : memref<1x1x128xi32, #tpu.memory_space<vmem>> -> memref<128xi32, #tpu.memory_space<vmem>>
        %dma_start3A_519 = tpu.memref_slice %arg3[%mul3A_509] : memref<640000xi32, #tpu.memory_space<hbm>> -> memref<128xi32, #tpu.memory_space<hbm>>
        tpu.enqueue_dma source(%dma_start3A_519 : memref<128xi32, #tpu.memory_space<hbm>>) target(%dma_start3A_518 : memref<128xi32, #tpu.memory_space<vmem>>) target_semaphore(%arg13 : memref<!tpu.dma_semaphore, #tpu.memory_space<semaphore_mem>>)
        %add3A_520 = arith.constant 320000 : i32
        %add3A_521 = arith.addi %add3A_520, %mul3A_509 : i32
        %dma_start3A_522 = arith.constant 4 : i32
        %dma_start3A_523 = arith.constant 1 : i32
        %dma_start3A_524 = arith.constant 0 : i32
        %dma_start3A_525 = tpu.memref_slice %arg6[%dma_start3A_522, %dma_start3A_523, %dma_start3A_524] : memref<6x2x128xi32, #tpu.memory_space<vmem>> -> memref<1x1x128xi32, #tpu.memory_space<vmem>>
        %dma_start3A_526 = tpu.memref_squeeze %dma_start3A_525 : memref<1x1x128xi32, #tpu.memory_space<vmem>> -> memref<128xi32, #tpu.memory_space<vmem>>
        %dma_start3A_527 = tpu.memref_slice %arg3[%add3A_521] : memref<640000xi32, #tpu.memory_space<hbm>> -> memref<128xi32, #tpu.memory_space<hbm>>
        %dma_start3A_528 = arith.constant 0 : i32
        %dma_start3A_529 = tpu.memref_slice %arg6[%dma_start3A_522, %dma_start3A_523, %dma_start3A_528] : memref<6x2x128xi32, #tpu.memory_space<vmem>> -> memref<1x1x128xi32, #tpu.memory_space<vmem>>
        %dma_start3A_530 = tpu.memref_squeeze %dma_start3A_529 : memref<1x1x128xi32, #tpu.memory_space<vmem>> -> memref<128xi32, #tpu.memory_space<vmem>>
        %dma_start3A_531 = tpu.memref_slice %arg3[%add3A_521] : memref<640000xi32, #tpu.memory_space<hbm>> -> memref<128xi32, #tpu.memory_space<hbm>>
        tpu.enqueue_dma source(%dma_start3A_531 : memref<128xi32, #tpu.memory_space<hbm>>) target(%dma_start3A_530 : memref<128xi32, #tpu.memory_space<vmem>>) target_semaphore(%arg13 : memref<!tpu.dma_semaphore, #tpu.memory_space<semaphore_mem>>)
      } else {
      }
      %add3A_469 = arith.constant 3 : i32
      %add3A_470 = arith.addi %add3A_446, %add3A_469 : i32
      %lt3A_471 = arith.cmpi slt, %add3A_470, %add3A_8 : i32
      %convert_element_type3A_472 = arith.extui %lt3A_471 : i1 to i32
      %cond3A_473 = arith.constant 0 : i32
      %cond3A_474 = arith.cmpi ne, %convert_element_type3A_472, %cond3A_473 : i32
      scf.if %cond3A_474 {
        %add3A_505 = arith.constant 3 : i32
        %add3A_506 = arith.addi %add3A_446, %add3A_505 : i32
        %add3A_507 = arith.addi %add3A_4, %add3A_506 : i32
        %mul3A_508 = arith.constant 128 : i32
        %mul3A_509 = arith.muli %add3A_507, %mul3A_508 : i32
        %dma_wait3A_510 = arith.constant 1 : i32
        %dma_wait3A_511 = arith.constant 0 : i32
        %dma_wait3A_512 = arith.constant 0 : i32
        %dma_wait3A_513 = tpu.memref_slice %arg6[%dma_wait3A_510, %dma_wait3A_511, %dma_wait3A_512] : memref<6x2x128xi32, #tpu.memory_space<vmem>> -> memref<1x1x128xi32, #tpu.memory_space<vmem>>
        %dma_wait3A_514 = tpu.memref_squeeze %dma_wait3A_513 : memref<1x1x128xi32, #tpu.memory_space<vmem>> -> memref<128xi32, #tpu.memory_space<vmem>>
        %dma_wait3A_515 = tpu.memref_slice %arg3[%mul3A_509] : memref<640000xi32, #tpu.memory_space<hbm>> -> memref<128xi32, #tpu.memory_space<hbm>>
        %dma_wait3A_516 = arith.constant 0 : i32
        %dma_wait3A_517 = tpu.memref_slice %arg6[%dma_wait3A_510, %dma_wait3A_511, %dma_wait3A_516] : memref<6x2x128xi32, #tpu.memory_space<vmem>> -> memref<1x1x128xi32, #tpu.memory_space<vmem>>
        %dma_wait3A_518 = tpu.memref_squeeze %dma_wait3A_517 : memref<1x1x128xi32, #tpu.memory_space<vmem>> -> memref<128xi32, #tpu.memory_space<vmem>>
        %dma_wait3A_519 = tpu.memref_slice %arg3[%mul3A_509] : memref<640000xi32, #tpu.memory_space<hbm>> -> memref<128xi32, #tpu.memory_space<hbm>>
        tpu.wait_dma2 semaphore(%arg10 : memref<!tpu.dma_semaphore, #tpu.memory_space<semaphore_mem>>) src(%dma_wait3A_519 : memref<128xi32, #tpu.memory_space<hbm>>) dst(%dma_wait3A_518 : memref<128xi32, #tpu.memory_space<vmem>>)
        %add3A_520 = arith.constant 320000 : i32
        %add3A_521 = arith.addi %add3A_520, %mul3A_509 : i32
        %dma_wait3A_522 = arith.constant 1 : i32
        %dma_wait3A_523 = arith.constant 1 : i32
        %dma_wait3A_524 = arith.constant 0 : i32
        %dma_wait3A_525 = tpu.memref_slice %arg6[%dma_wait3A_522, %dma_wait3A_523, %dma_wait3A_524] : memref<6x2x128xi32, #tpu.memory_space<vmem>> -> memref<1x1x128xi32, #tpu.memory_space<vmem>>
        %dma_wait3A_526 = tpu.memref_squeeze %dma_wait3A_525 : memref<1x1x128xi32, #tpu.memory_space<vmem>> -> memref<128xi32, #tpu.memory_space<vmem>>
        %dma_wait3A_527 = tpu.memref_slice %arg3[%add3A_521] : memref<640000xi32, #tpu.memory_space<hbm>> -> memref<128xi32, #tpu.memory_space<hbm>>
        %dma_wait3A_528 = arith.constant 0 : i32
        %dma_wait3A_529 = tpu.memref_slice %arg6[%dma_wait3A_522, %dma_wait3A_523, %dma_wait3A_528] : memref<6x2x128xi32, #tpu.memory_space<vmem>> -> memref<1x1x128xi32, #tpu.memory_space<vmem>>
        %dma_wait3A_530 = tpu.memref_squeeze %dma_wait3A_529 : memref<1x1x128xi32, #tpu.memory_space<vmem>> -> memref<128xi32, #tpu.memory_space<vmem>>
        %dma_wait3A_531 = tpu.memref_slice %arg3[%add3A_521] : memref<640000xi32, #tpu.memory_space<hbm>> -> memref<128xi32, #tpu.memory_space<hbm>>
        tpu.wait_dma2 semaphore(%arg10 : memref<!tpu.dma_semaphore, #tpu.memory_space<semaphore_mem>>) src(%dma_wait3A_531 : memref<128xi32, #tpu.memory_space<hbm>>) dst(%dma_wait3A_530 : memref<128xi32, #tpu.memory_space<vmem>>)
        %dma_start3A_532 = arith.constant 1 : i32
        %dma_start3A_533 = arith.constant 0 : i32
        %dma_start3A_534 = arith.constant 1 : i32
        %dma_start3A_535 = arith.constant 0 : i32
        %dma_start3A_536 = arith.constant 0 : i32
        %dma_start3A_537 = tpu.memref_slice %arg7[%dma_start3A_534, %dma_start3A_535, %dma_start3A_536] : memref<3x128x128xf32, #tpu.memory_space<vmem>> -> memref<1x128x128xf32, #tpu.memory_space<vmem>>
        %dma_start3A_538 = tpu.memref_squeeze %dma_start3A_537 : memref<1x128x128xf32, #tpu.memory_space<vmem>> -> memref<128x128xf32, #tpu.memory_space<vmem>>
        %dma_start3A_539 = arith.constant 0 : i32
        %dma_start3A_540 = tpu.memref_slice %arg6[%dma_start3A_532, %dma_start3A_533, %dma_start3A_539] : memref<6x2x128xi32, #tpu.memory_space<vmem>> -> memref<1x1x128xi32, #tpu.memory_space<vmem>>
        %dma_start3A_541 = tpu.memref_squeeze %dma_start3A_540 : memref<1x1x128xi32, #tpu.memory_space<vmem>> -> memref<128xi32, #tpu.memory_space<vmem>>
        %dma_start3A_542 = arith.constant 0 : i32
        %dma_start3A_543 = arith.constant 0 : i32
        %dma_start3A_544 = tpu.memref_slice %arg2[%dma_start3A_542, %dma_start3A_543] : memref<10000x128xf32, #tpu.memory_space<hbm>> -> memref<10000x128xf32, #tpu.memory_space<hbm>>
        tpu.enqueue_indirect_dma source(%dma_start3A_544 : memref<10000x128xf32, #tpu.memory_space<hbm>>) target(%dma_start3A_538 : memref<128x128xf32, #tpu.memory_space<vmem>>) offsets(%dma_start3A_541 : memref<128xi32, #tpu.memory_space<vmem>>) semaphore(%arg16 : memref<!tpu.dma_semaphore, #tpu.memory_space<semaphore_mem>>)
      } else {
      }
      %add3A_475 = arith.constant 5 : i32
      %add3A_476 = arith.addi %mul3A_325, %add3A_475 : i32
      %dma_wait3A_477 = arith.constant 5 : i32
      %dma_wait3A_478 = arith.constant 0 : i32
      %dma_wait3A_479 = arith.constant 2 : i32
      %dma_wait3A_480 = arith.constant 0 : i32
      %dma_wait3A_481 = arith.constant 0 : i32
      %dma_wait3A_482 = tpu.memref_slice %arg7[%dma_wait3A_479, %dma_wait3A_480, %dma_wait3A_481] : memref<3x128x128xf32, #tpu.memory_space<vmem>> -> memref<1x128x128xf32, #tpu.memory_space<vmem>>
      %dma_wait3A_483 = tpu.memref_squeeze %dma_wait3A_482 : memref<1x128x128xf32, #tpu.memory_space<vmem>> -> memref<128x128xf32, #tpu.memory_space<vmem>>
      %dma_wait3A_484 = arith.constant 0 : i32
      %dma_wait3A_485 = tpu.memref_slice %arg6[%dma_wait3A_477, %dma_wait3A_478, %dma_wait3A_484] : memref<6x2x128xi32, #tpu.memory_space<vmem>> -> memref<1x1x128xi32, #tpu.memory_space<vmem>>
      %dma_wait3A_486 = tpu.memref_squeeze %dma_wait3A_485 : memref<1x1x128xi32, #tpu.memory_space<vmem>> -> memref<128xi32, #tpu.memory_space<vmem>>
      %dma_wait3A_487 = arith.constant 0 : i32
      %dma_wait3A_488 = arith.constant 0 : i32
      %dma_wait3A_489 = tpu.memref_slice %arg2[%dma_wait3A_487, %dma_wait3A_488] : memref<10000x128xf32, #tpu.memory_space<hbm>> -> memref<10000x128xf32, #tpu.memory_space<hbm>>
      tpu.wait_indirect_dma semaphore(%arg17 : memref<!tpu.dma_semaphore, #tpu.memory_space<semaphore_mem>>) src(%dma_wait3A_489 : memref<10000x128xf32, #tpu.memory_space<hbm>>) dst(%dma_wait3A_483 : memref<128x128xf32, #tpu.memory_space<vmem>>)
      %run_scoped3A_490 = arith.constant 2 : i32
      %run_scoped3A_491 = arith.constant 5 : i32
      %run_scoped3A_492 = arith.constant 1 : i32
      "tpu.region"() ({
        %run_scoped3A_505 = tpu.sem_alloc : memref<!tpu.dma_semaphore, #tpu.memory_space<semaphore_mem>>
        %dma_start3A_506 = arith.constant 0 : i32
        %dma_start3A_507 = arith.constant 0 : i32
        %dma_start3A_508 = tpu.memref_slice %arg7[%run_scoped3A_490, %dma_start3A_506, %dma_start3A_507] : memref<3x128x128xf32, #tpu.memory_space<vmem>> -> memref<1x128x128xf32, #tpu.memory_space<vmem>>
        %dma_start3A_509 = tpu.memref_squeeze %dma_start3A_508 : memref<1x128x128xf32, #tpu.memory_space<vmem>> -> memref<128x128xf32, #tpu.memory_space<vmem>>
        %dma_start3A_510 = arith.constant 0 : i32
        %dma_start3A_511 = tpu.memref_slice %arg6[%run_scoped3A_491, %run_scoped3A_492, %dma_start3A_510] : memref<6x2x128xi32, #tpu.memory_space<vmem>> -> memref<1x1x128xi32, #tpu.memory_space<vmem>>
        %dma_start3A_512 = tpu.memref_squeeze %dma_start3A_511 : memref<1x1x128xi32, #tpu.memory_space<vmem>> -> memref<128xi32, #tpu.memory_space<vmem>>
        %dma_start3A_513 = arith.constant 0 : i32
        %dma_start3A_514 = arith.constant 0 : i32
        %dma_start3A_515 = tpu.memref_slice %arg8[%dma_start3A_513, %dma_start3A_514] : memref<10000x128xf32, #tpu.memory_space<vmem_shared>> -> memref<10000x128xf32, #tpu.memory_space<vmem_shared>>
        tpu.enqueue_indirect_dma source(%dma_start3A_509 : memref<128x128xf32, #tpu.memory_space<vmem>>) target(%dma_start3A_515 : memref<10000x128xf32, #tpu.memory_space<vmem_shared>>) offsets(%dma_start3A_512 : memref<128xi32, #tpu.memory_space<vmem>>) semaphore(%run_scoped3A_505 : memref<!tpu.dma_semaphore, #tpu.memory_space<semaphore_mem>>) {add = true}
        %dma_wait3A_516 = arith.constant 0 : i32
        %dma_wait3A_517 = arith.constant 0 : i32
        %dma_wait3A_518 = tpu.memref_slice %arg7[%run_scoped3A_490, %dma_wait3A_516, %dma_wait3A_517] : memref<3x128x128xf32, #tpu.memory_space<vmem>> -> memref<1x128x128xf32, #tpu.memory_space<vmem>>
        %dma_wait3A_519 = tpu.memref_squeeze %dma_wait3A_518 : memref<1x128x128xf32, #tpu.memory_space<vmem>> -> memref<128x128xf32, #tpu.memory_space<vmem>>
        %dma_wait3A_520 = arith.constant 0 : i32
        %dma_wait3A_521 = tpu.memref_slice %arg6[%run_scoped3A_491, %run_scoped3A_492, %dma_wait3A_520] : memref<6x2x128xi32, #tpu.memory_space<vmem>> -> memref<1x1x128xi32, #tpu.memory_space<vmem>>
        %dma_wait3A_522 = tpu.memref_squeeze %dma_wait3A_521 : memref<1x1x128xi32, #tpu.memory_space<vmem>> -> memref<128xi32, #tpu.memory_space<vmem>>
        %dma_wait3A_523 = arith.constant 0 : i32
        %dma_wait3A_524 = arith.constant 0 : i32
        %dma_wait3A_525 = tpu.memref_slice %arg8[%dma_wait3A_523, %dma_wait3A_524] : memref<10000x128xf32, #tpu.memory_space<vmem_shared>> -> memref<10000x128xf32, #tpu.memory_space<vmem_shared>>
        tpu.wait_indirect_dma semaphore(%run_scoped3A_505 : memref<!tpu.dma_semaphore, #tpu.memory_space<semaphore_mem>>) src(%dma_wait3A_519 : memref<128x128xf32, #tpu.memory_space<vmem>>) dst(%dma_wait3A_525 : memref<10000x128xf32, #tpu.memory_space<vmem_shared>>)
        tpu.yield
      }) : () -> ()
      %add3A_493 = arith.constant 6 : i32
      %add3A_494 = arith.addi %add3A_476, %add3A_493 : i32
      %lt3A_495 = arith.cmpi slt, %add3A_494, %add3A_8 : i32
      %convert_element_type3A_496 = arith.extui %lt3A_495 : i1 to i32
      %cond3A_497 = arith.constant 0 : i32
      %cond3A_498 = arith.cmpi ne, %convert_element_type3A_496, %cond3A_497 : i32
      scf.if %cond3A_498 {
        %add3A_505 = arith.constant 6 : i32
        %add3A_506 = arith.addi %add3A_476, %add3A_505 : i32
        %add3A_507 = arith.addi %add3A_4, %add3A_506 : i32
        %mul3A_508 = arith.constant 128 : i32
        %mul3A_509 = arith.muli %add3A_507, %mul3A_508 : i32
        %dma_start3A_510 = arith.constant 5 : i32
        %dma_start3A_511 = arith.constant 0 : i32
        %dma_start3A_512 = arith.constant 0 : i32
        %dma_start3A_513 = tpu.memref_slice %arg6[%dma_start3A_510, %dma_start3A_511, %dma_start3A_512] : memref<6x2x128xi32, #tpu.memory_space<vmem>> -> memref<1x1x128xi32, #tpu.memory_space<vmem>>
        %dma_start3A_514 = tpu.memref_squeeze %dma_start3A_513 : memref<1x1x128xi32, #tpu.memory_space<vmem>> -> memref<128xi32, #tpu.memory_space<vmem>>
        %dma_start3A_515 = tpu.memref_slice %arg3[%mul3A_509] : memref<640000xi32, #tpu.memory_space<hbm>> -> memref<128xi32, #tpu.memory_space<hbm>>
        %dma_start3A_516 = arith.constant 0 : i32
        %dma_start3A_517 = tpu.memref_slice %arg6[%dma_start3A_510, %dma_start3A_511, %dma_start3A_516] : memref<6x2x128xi32, #tpu.memory_space<vmem>> -> memref<1x1x128xi32, #tpu.memory_space<vmem>>
        %dma_start3A_518 = tpu.memref_squeeze %dma_start3A_517 : memref<1x1x128xi32, #tpu.memory_space<vmem>> -> memref<128xi32, #tpu.memory_space<vmem>>
        %dma_start3A_519 = tpu.memref_slice %arg3[%mul3A_509] : memref<640000xi32, #tpu.memory_space<hbm>> -> memref<128xi32, #tpu.memory_space<hbm>>
        tpu.enqueue_dma source(%dma_start3A_519 : memref<128xi32, #tpu.memory_space<hbm>>) target(%dma_start3A_518 : memref<128xi32, #tpu.memory_space<vmem>>) target_semaphore(%arg14 : memref<!tpu.dma_semaphore, #tpu.memory_space<semaphore_mem>>)
        %add3A_520 = arith.constant 320000 : i32
        %add3A_521 = arith.addi %add3A_520, %mul3A_509 : i32
        %dma_start3A_522 = arith.constant 5 : i32
        %dma_start3A_523 = arith.constant 1 : i32
        %dma_start3A_524 = arith.constant 0 : i32
        %dma_start3A_525 = tpu.memref_slice %arg6[%dma_start3A_522, %dma_start3A_523, %dma_start3A_524] : memref<6x2x128xi32, #tpu.memory_space<vmem>> -> memref<1x1x128xi32, #tpu.memory_space<vmem>>
        %dma_start3A_526 = tpu.memref_squeeze %dma_start3A_525 : memref<1x1x128xi32, #tpu.memory_space<vmem>> -> memref<128xi32, #tpu.memory_space<vmem>>
        %dma_start3A_527 = tpu.memref_slice %arg3[%add3A_521] : memref<640000xi32, #tpu.memory_space<hbm>> -> memref<128xi32, #tpu.memory_space<hbm>>
        %dma_start3A_528 = arith.constant 0 : i32
        %dma_start3A_529 = tpu.memref_slice %arg6[%dma_start3A_522, %dma_start3A_523, %dma_start3A_528] : memref<6x2x128xi32, #tpu.memory_space<vmem>> -> memref<1x1x128xi32, #tpu.memory_space<vmem>>
        %dma_start3A_530 = tpu.memref_squeeze %dma_start3A_529 : memref<1x1x128xi32, #tpu.memory_space<vmem>> -> memref<128xi32, #tpu.memory_space<vmem>>
        %dma_start3A_531 = tpu.memref_slice %arg3[%add3A_521] : memref<640000xi32, #tpu.memory_space<hbm>> -> memref<128xi32, #tpu.memory_space<hbm>>
        tpu.enqueue_dma source(%dma_start3A_531 : memref<128xi32, #tpu.memory_space<hbm>>) target(%dma_start3A_530 : memref<128xi32, #tpu.memory_space<vmem>>) target_semaphore(%arg14 : memref<!tpu.dma_semaphore, #tpu.memory_space<semaphore_mem>>)
      } else {
      }
      %add3A_499 = arith.constant 3 : i32
      %add3A_500 = arith.addi %add3A_476, %add3A_499 : i32
      %lt3A_501 = arith.cmpi slt, %add3A_500, %add3A_8 : i32
      %convert_element_type3A_502 = arith.extui %lt3A_501 : i1 to i32
      %cond3A_503 = arith.constant 0 : i32
      %cond3A_504 = arith.cmpi ne, %convert_element_type3A_502, %cond3A_503 : i32
      scf.if %cond3A_504 {
        %add3A_505 = arith.constant 3 : i32
        %add3A_506 = arith.addi %add3A_476, %add3A_505 : i32
        %add3A_507 = arith.addi %add3A_4, %add3A_506 : i32
        %mul3A_508 = arith.constant 128 : i32
        %mul3A_509 = arith.muli %add3A_507, %mul3A_508 : i32
        %dma_wait3A_510 = arith.constant 2 : i32
        %dma_wait3A_511 = arith.constant 0 : i32
        %dma_wait3A_512 = arith.constant 0 : i32
        %dma_wait3A_513 = tpu.memref_slice %arg6[%dma_wait3A_510, %dma_wait3A_511, %dma_wait3A_512] : memref<6x2x128xi32, #tpu.memory_space<vmem>> -> memref<1x1x128xi32, #tpu.memory_space<vmem>>
        %dma_wait3A_514 = tpu.memref_squeeze %dma_wait3A_513 : memref<1x1x128xi32, #tpu.memory_space<vmem>> -> memref<128xi32, #tpu.memory_space<vmem>>
        %dma_wait3A_515 = tpu.memref_slice %arg3[%mul3A_509] : memref<640000xi32, #tpu.memory_space<hbm>> -> memref<128xi32, #tpu.memory_space<hbm>>
        %dma_wait3A_516 = arith.constant 0 : i32
        %dma_wait3A_517 = tpu.memref_slice %arg6[%dma_wait3A_510, %dma_wait3A_511, %dma_wait3A_516] : memref<6x2x128xi32, #tpu.memory_space<vmem>> -> memref<1x1x128xi32, #tpu.memory_space<vmem>>
        %dma_wait3A_518 = tpu.memref_squeeze %dma_wait3A_517 : memref<1x1x128xi32, #tpu.memory_space<vmem>> -> memref<128xi32, #tpu.memory_space<vmem>>
        %dma_wait3A_519 = tpu.memref_slice %arg3[%mul3A_509] : memref<640000xi32, #tpu.memory_space<hbm>> -> memref<128xi32, #tpu.memory_space<hbm>>
        tpu.wait_dma2 semaphore(%arg11 : memref<!tpu.dma_semaphore, #tpu.memory_space<semaphore_mem>>) src(%dma_wait3A_519 : memref<128xi32, #tpu.memory_space<hbm>>) dst(%dma_wait3A_518 : memref<128xi32, #tpu.memory_space<vmem>>)
        %add3A_520 = arith.constant 320000 : i32
        %add3A_521 = arith.addi %add3A_520, %mul3A_509 : i32
        %dma_wait3A_522 = arith.constant 2 : i32
        %dma_wait3A_523 = arith.constant 1 : i32
        %dma_wait3A_524 = arith.constant 0 : i32
        %dma_wait3A_525 = tpu.memref_slice %arg6[%dma_wait3A_522, %dma_wait3A_523, %dma_wait3A_524] : memref<6x2x128xi32, #tpu.memory_space<vmem>> -> memref<1x1x128xi32, #tpu.memory_space<vmem>>
        %dma_wait3A_526 = tpu.memref_squeeze %dma_wait3A_525 : memref<1x1x128xi32, #tpu.memory_space<vmem>> -> memref<128xi32, #tpu.memory_space<vmem>>
        %dma_wait3A_527 = tpu.memref_slice %arg3[%add3A_521] : memref<640000xi32, #tpu.memory_space<hbm>> -> memref<128xi32, #tpu.memory_space<hbm>>
        %dma_wait3A_528 = arith.constant 0 : i32
        %dma_wait3A_529 = tpu.memref_slice %arg6[%dma_wait3A_522, %dma_wait3A_523, %dma_wait3A_528] : memref<6x2x128xi32, #tpu.memory_space<vmem>> -> memref<1x1x128xi32, #tpu.memory_space<vmem>>
        %dma_wait3A_530 = tpu.memref_squeeze %dma_wait3A_529 : memref<1x1x128xi32, #tpu.memory_space<vmem>> -> memref<128xi32, #tpu.memory_space<vmem>>
        %dma_wait3A_531 = tpu.memref_slice %arg3[%add3A_521] : memref<640000xi32, #tpu.memory_space<hbm>> -> memref<128xi32, #tpu.memory_space<hbm>>
        tpu.wait_dma2 semaphore(%arg11 : memref<!tpu.dma_semaphore, #tpu.memory_space<semaphore_mem>>) src(%dma_wait3A_531 : memref<128xi32, #tpu.memory_space<hbm>>) dst(%dma_wait3A_530 : memref<128xi32, #tpu.memory_space<vmem>>)
        %dma_start3A_532 = arith.constant 2 : i32
        %dma_start3A_533 = arith.constant 0 : i32
        %dma_start3A_534 = arith.constant 2 : i32
        %dma_start3A_535 = arith.constant 0 : i32
        %dma_start3A_536 = arith.constant 0 : i32
        %dma_start3A_537 = tpu.memref_slice %arg7[%dma_start3A_534, %dma_start3A_535, %dma_start3A_536] : memref<3x128x128xf32, #tpu.memory_space<vmem>> -> memref<1x128x128xf32, #tpu.memory_space<vmem>>
        %dma_start3A_538 = tpu.memref_squeeze %dma_start3A_537 : memref<1x128x128xf32, #tpu.memory_space<vmem>> -> memref<128x128xf32, #tpu.memory_space<vmem>>
        %dma_start3A_539 = arith.constant 0 : i32
        %dma_start3A_540 = tpu.memref_slice %arg6[%dma_start3A_532, %dma_start3A_533, %dma_start3A_539] : memref<6x2x128xi32, #tpu.memory_space<vmem>> -> memref<1x1x128xi32, #tpu.memory_space<vmem>>
        %dma_start3A_541 = tpu.memref_squeeze %dma_start3A_540 : memref<1x1x128xi32, #tpu.memory_space<vmem>> -> memref<128xi32, #tpu.memory_space<vmem>>
        %dma_start3A_542 = arith.constant 0 : i32
        %dma_start3A_543 = arith.constant 0 : i32
        %dma_start3A_544 = tpu.memref_slice %arg2[%dma_start3A_542, %dma_start3A_543] : memref<10000x128xf32, #tpu.memory_space<hbm>> -> memref<10000x128xf32, #tpu.memory_space<hbm>>
        tpu.enqueue_indirect_dma source(%dma_start3A_544 : memref<10000x128xf32, #tpu.memory_space<hbm>>) target(%dma_start3A_538 : memref<128x128xf32, #tpu.memory_space<vmem>>) offsets(%dma_start3A_541 : memref<128xi32, #tpu.memory_space<vmem>>) semaphore(%arg17 : memref<!tpu.dma_semaphore, #tpu.memory_space<semaphore_mem>>)
      } else {
      }
    }
    %scan3A_307 = arith.constant 13 : i32
    %lt3A_308 = arith.constant 4 : i32
    %lt3A_309 = arith.cmpi slt, %add3A, %lt3A_308 : i32
    %convert_element_type3A_310 = arith.extui %lt3A_309 : i1 to i32
    %cond3A_311 = arith.constant 0 : i32
    %cond3A_312 = arith.cmpi ne, %convert_element_type3A_310, %cond3A_311 : i32
    scf.if %cond3A_312 {
      %dma_wait3A_323 = arith.constant 0 : i32
      %dma_wait3A_324 = arith.constant 0 : i32
      %dma_wait3A_325 = arith.constant 0 : i32
      %dma_wait3A_326 = arith.constant 0 : i32
      %dma_wait3A_327 = arith.constant 0 : i32
      %dma_wait3A_328 = tpu.memref_slice %arg7[%dma_wait3A_325, %dma_wait3A_326, %dma_wait3A_327] : memref<3x128x128xf32, #tpu.memory_space<vmem>> -> memref<1x128x128xf32, #tpu.memory_space<vmem>>
      %dma_wait3A_329 = tpu.memref_squeeze %dma_wait3A_328 : memref<1x128x128xf32, #tpu.memory_space<vmem>> -> memref<128x128xf32, #tpu.memory_space<vmem>>
      %dma_wait3A_330 = arith.constant 0 : i32
      %dma_wait3A_331 = tpu.memref_slice %arg6[%dma_wait3A_323, %dma_wait3A_324, %dma_wait3A_330] : memref<6x2x128xi32, #tpu.memory_space<vmem>> -> memref<1x1x128xi32, #tpu.memory_space<vmem>>
      %dma_wait3A_332 = tpu.memref_squeeze %dma_wait3A_331 : memref<1x1x128xi32, #tpu.memory_space<vmem>> -> memref<128xi32, #tpu.memory_space<vmem>>
      %dma_wait3A_333 = arith.constant 0 : i32
      %dma_wait3A_334 = arith.constant 0 : i32
      %dma_wait3A_335 = tpu.memref_slice %arg2[%dma_wait3A_333, %dma_wait3A_334] : memref<10000x128xf32, #tpu.memory_space<hbm>> -> memref<10000x128xf32, #tpu.memory_space<hbm>>
      tpu.wait_indirect_dma semaphore(%arg15 : memref<!tpu.dma_semaphore, #tpu.memory_space<semaphore_mem>>) src(%dma_wait3A_335 : memref<10000x128xf32, #tpu.memory_space<hbm>>) dst(%dma_wait3A_329 : memref<128x128xf32, #tpu.memory_space<vmem>>)
      %run_scoped3A = arith.constant 0 : i32
      %run_scoped3A_336 = arith.constant 0 : i32
      %run_scoped3A_337 = arith.constant 1 : i32
      "tpu.region"() ({
        %run_scoped3A_338 = tpu.sem_alloc : memref<!tpu.dma_semaphore, #tpu.memory_space<semaphore_mem>>
        %dma_start3A_339 = arith.constant 0 : i32
        %dma_start3A_340 = arith.constant 0 : i32
        %dma_start3A_341 = tpu.memref_slice %arg7[%run_scoped3A, %dma_start3A_339, %dma_start3A_340] : memref<3x128x128xf32, #tpu.memory_space<vmem>> -> memref<1x128x128xf32, #tpu.memory_space<vmem>>
        %dma_start3A_342 = tpu.memref_squeeze %dma_start3A_341 : memref<1x128x128xf32, #tpu.memory_space<vmem>> -> memref<128x128xf32, #tpu.memory_space<vmem>>
        %dma_start3A_343 = arith.constant 0 : i32
        %dma_start3A_344 = tpu.memref_slice %arg6[%run_scoped3A_336, %run_scoped3A_337, %dma_start3A_343] : memref<6x2x128xi32, #tpu.memory_space<vmem>> -> memref<1x1x128xi32, #tpu.memory_space<vmem>>
        %dma_start3A_345 = tpu.memref_squeeze %dma_start3A_344 : memref<1x1x128xi32, #tpu.memory_space<vmem>> -> memref<128xi32, #tpu.memory_space<vmem>>
        %dma_start3A_346 = arith.constant 0 : i32
        %dma_start3A_347 = arith.constant 0 : i32
        %dma_start3A_348 = tpu.memref_slice %arg8[%dma_start3A_346, %dma_start3A_347] : memref<10000x128xf32, #tpu.memory_space<vmem_shared>> -> memref<10000x128xf32, #tpu.memory_space<vmem_shared>>
        tpu.enqueue_indirect_dma source(%dma_start3A_342 : memref<128x128xf32, #tpu.memory_space<vmem>>) target(%dma_start3A_348 : memref<10000x128xf32, #tpu.memory_space<vmem_shared>>) offsets(%dma_start3A_345 : memref<128xi32, #tpu.memory_space<vmem>>) semaphore(%run_scoped3A_338 : memref<!tpu.dma_semaphore, #tpu.memory_space<semaphore_mem>>) {add = true}
        %dma_wait3A_349 = arith.constant 0 : i32
        %dma_wait3A_350 = arith.constant 0 : i32
        %dma_wait3A_351 = tpu.memref_slice %arg7[%run_scoped3A, %dma_wait3A_349, %dma_wait3A_350] : memref<3x128x128xf32, #tpu.memory_space<vmem>> -> memref<1x128x128xf32, #tpu.memory_space<vmem>>
        %dma_wait3A_352 = tpu.memref_squeeze %dma_wait3A_351 : memref<1x128x128xf32, #tpu.memory_space<vmem>> -> memref<128x128xf32, #tpu.memory_space<vmem>>
        %dma_wait3A_353 = arith.constant 0 : i32
        %dma_wait3A_354 = tpu.memref_slice %arg6[%run_scoped3A_336, %run_scoped3A_337, %dma_wait3A_353] : memref<6x2x128xi32, #tpu.memory_space<vmem>> -> memref<1x1x128xi32, #tpu.memory_space<vmem>>
        %dma_wait3A_355 = tpu.memref_squeeze %dma_wait3A_354 : memref<1x1x128xi32, #tpu.memory_space<vmem>> -> memref<128xi32, #tpu.memory_space<vmem>>
        %dma_wait3A_356 = arith.constant 0 : i32
        %dma_wait3A_357 = arith.constant 0 : i32
        %dma_wait3A_358 = tpu.memref_slice %arg8[%dma_wait3A_356, %dma_wait3A_357] : memref<10000x128xf32, #tpu.memory_space<vmem_shared>> -> memref<10000x128xf32, #tpu.memory_space<vmem_shared>>
        tpu.wait_indirect_dma semaphore(%run_scoped3A_338 : memref<!tpu.dma_semaphore, #tpu.memory_space<semaphore_mem>>) src(%dma_wait3A_352 : memref<128x128xf32, #tpu.memory_space<vmem>>) dst(%dma_wait3A_358 : memref<10000x128xf32, #tpu.memory_space<vmem_shared>>)
        tpu.yield
      }) : () -> ()
    } else {
    }
    %barrier3A_313 = arith.constant 0 : index
    tpu.barrier barrier_id(%barrier3A_313)
    %mul3A_314 = arith.constant 624 : i32
    %mul3A_315 = arith.muli %arg1, %mul3A_314 : i32
    %mul3A_316 = arith.constant 624 : i32
    %mul3A_317 = arith.muli %arg1, %mul3A_316 : i32
    "tpu.region"() ({
      %run_scoped3A = tpu.sem_alloc : memref<!tpu.dma_semaphore, #tpu.memory_space<semaphore_mem>>
      %dma_start3A_323 = arith.constant 0 : i32
      %dma_start3A_324 = tpu.memref_slice %arg5[%arg0, %mul3A_317, %dma_start3A_323] : memref<2x10000x128xf32, #tpu.memory_space<hbm>> -> memref<1x624x128xf32, #tpu.memory_space<hbm>>
      %dma_start3A_325 = tpu.memref_squeeze %dma_start3A_324 : memref<1x624x128xf32, #tpu.memory_space<hbm>> -> memref<624x128xf32, #tpu.memory_space<hbm>>
      %dma_start3A_326 = arith.constant 0 : i32
      %dma_start3A_327 = tpu.memref_slice %arg8[%mul3A_315, %dma_start3A_326] : memref<10000x128xf32, #tpu.memory_space<vmem_shared>> -> memref<624x128xf32, #tpu.memory_space<vmem_shared>>
      tpu.enqueue_dma source(%dma_start3A_327 : memref<624x128xf32, #tpu.memory_space<vmem_shared>>) target(%dma_start3A_325 : memref<624x128xf32, #tpu.memory_space<hbm>>) target_semaphore(%run_scoped3A : memref<!tpu.dma_semaphore, #tpu.memory_space<semaphore_mem>>)
      %dma_wait3A_328 = arith.constant 0 : i32
      %dma_wait3A_329 = tpu.memref_slice %arg5[%arg0, %mul3A_317, %dma_wait3A_328] : memref<2x10000x128xf32, #tpu.memory_space<hbm>> -> memref<1x624x128xf32, #tpu.memory_space<hbm>>
      %dma_wait3A_330 = tpu.memref_squeeze %dma_wait3A_329 : memref<1x624x128xf32, #tpu.memory_space<hbm>> -> memref<624x128xf32, #tpu.memory_space<hbm>>
      %dma_wait3A_331 = arith.constant 0 : i32
      %dma_wait3A_332 = tpu.memref_slice %arg8[%mul3A_315, %dma_wait3A_331] : memref<10000x128xf32, #tpu.memory_space<vmem_shared>> -> memref<624x128xf32, #tpu.memory_space<vmem_shared>>
      tpu.wait_dma2 semaphore(%run_scoped3A : memref<!tpu.dma_semaphore, #tpu.memory_space<semaphore_mem>>) src(%dma_wait3A_332 : memref<624x128xf32, #tpu.memory_space<vmem_shared>>) dst(%dma_wait3A_330 : memref<624x128xf32, #tpu.memory_space<hbm>>)
      tpu.yield
    }) : () -> ()
    %eq3A_318 = arith.constant 15 : i32
    %eq3A_319 = arith.cmpi eq, %arg1, %eq3A_318 : i32
    %convert_element_type3A_320 = arith.extui %eq3A_319 : i1 to i32
    %cond3A_321 = arith.constant 0 : i32
    %cond3A_322 = arith.cmpi ne, %convert_element_type3A_320, %cond3A_321 : i32
    scf.if %cond3A_322 {
      "tpu.region"() ({
        %run_scoped3A = tpu.sem_alloc : memref<!tpu.dma_semaphore, #tpu.memory_space<semaphore_mem>>
        %dma_start3A_323 = arith.constant 9984 : i32
        %dma_start3A_324 = arith.constant 0 : i32
        %dma_start3A_325 = tpu.memref_slice %arg5[%arg0, %dma_start3A_323, %dma_start3A_324] : memref<2x10000x128xf32, #tpu.memory_space<hbm>> -> memref<1x16x128xf32, #tpu.memory_space<hbm>>
        %dma_start3A_326 = tpu.memref_squeeze %dma_start3A_325 : memref<1x16x128xf32, #tpu.memory_space<hbm>> -> memref<16x128xf32, #tpu.memory_space<hbm>>
        %dma_start3A_327 = arith.constant 9984 : i32
        %dma_start3A_328 = arith.constant 0 : i32
        %dma_start3A_329 = tpu.memref_slice %arg8[%dma_start3A_327, %dma_start3A_328] : memref<10000x128xf32, #tpu.memory_space<vmem_shared>> -> memref<16x128xf32, #tpu.memory_space<vmem_shared>>
        tpu.enqueue_dma source(%dma_start3A_329 : memref<16x128xf32, #tpu.memory_space<vmem_shared>>) target(%dma_start3A_326 : memref<16x128xf32, #tpu.memory_space<hbm>>) target_semaphore(%run_scoped3A : memref<!tpu.dma_semaphore, #tpu.memory_space<semaphore_mem>>)
        %dma_wait3A_330 = arith.constant 9984 : i32
        %dma_wait3A_331 = arith.constant 0 : i32
        %dma_wait3A_332 = tpu.memref_slice %arg5[%arg0, %dma_wait3A_330, %dma_wait3A_331] : memref<2x10000x128xf32, #tpu.memory_space<hbm>> -> memref<1x16x128xf32, #tpu.memory_space<hbm>>
        %dma_wait3A_333 = tpu.memref_squeeze %dma_wait3A_332 : memref<1x16x128xf32, #tpu.memory_space<hbm>> -> memref<16x128xf32, #tpu.memory_space<hbm>>
        %dma_wait3A_334 = arith.constant 9984 : i32
        %dma_wait3A_335 = arith.constant 0 : i32
        %dma_wait3A_336 = tpu.memref_slice %arg8[%dma_wait3A_334, %dma_wait3A_335] : memref<10000x128xf32, #tpu.memory_space<vmem_shared>> -> memref<16x128xf32, #tpu.memory_space<vmem_shared>>
        tpu.wait_dma2 semaphore(%run_scoped3A : memref<!tpu.dma_semaphore, #tpu.memory_space<semaphore_mem>>) src(%dma_wait3A_336 : memref<16x128xf32, #tpu.memory_space<vmem_shared>>) dst(%dma_wait3A_333 : memref<16x128xf32, #tpu.memory_space<hbm>>)
        tpu.yield
      }) : () -> ()
    } else {
    }
    return
  }
}

module attributes {stable_mosaic.version = 14 : i64} {
  func.func @_relu_body(%arg0: memref<10000x128xf32, #tpu.memory_space<vmem>>, %arg1: memref<10000x128xf32, #tpu.memory_space<vmem>>, %arg2: memref<10000x128xf32, #tpu.memory_space<vmem>>) attributes {dimension_semantics = [], scalar_prefetch = 0 : i64, scratch_operands = 0 : i64, tpu.core_type = #tpu.core_type<tc>} {
    %get3A = arith.constant 0 : index
    %get3A_0 = arith.constant 0 : index
    %get3A_1 = vector.load %arg0[%get3A, %get3A_0] : memref<10000x128xf32, #tpu.memory_space<vmem>>, vector<10000x128xf32>
    %max3A = arith.constant 0.000000e+00 : f32
    %max3A_2 = vector.broadcast %max3A : f32 to vector<10000x128xf32>
    %max3A_3 = arith.maximumf %get3A_1, %max3A_2 : vector<10000x128xf32>
    %swap3A = arith.constant 0 : index
    %swap3A_4 = arith.constant 0 : index
    %swap3A_5 = vector.load %arg1[%swap3A, %swap3A_4] : memref<10000x128xf32, #tpu.memory_space<vmem>>, vector<10000x128xf32>
    tpu.vector_store %arg1[%swap3A, %swap3A_4], %max3A_3 {strides = array<i32>} : memref<10000x128xf32, #tpu.memory_space<vmem>>, vector<10000x128xf32>,
    %broadcast_in_dim3A = arith.constant 0.000000e+00 : f32
    %broadcast_in_dim3A_6 = vector.broadcast %broadcast_in_dim3A : f32 to vector<10000x128xf32>
    %swap3A_7 = arith.constant 0 : index
    %swap3A_8 = arith.constant 0 : index
    %swap3A_9 = vector.load %arg2[%swap3A_7, %swap3A_8] : memref<10000x128xf32, #tpu.memory_space<vmem>>, vector<10000x128xf32>
    tpu.vector_store %arg2[%swap3A_7, %swap3A_8], %broadcast_in_dim3A_6 {strides = array<i32>} : memref<10000x128xf32, #tpu.memory_space<vmem>>, vector<10000x128xf32>,
    return
  }
}

module attributes {stable_mosaic.version = 14 : i64} {
  func.func @_final_body(%arg0: memref<10000x128xf32, #tpu.memory_space<vmem>>, %arg1: memref<2x10000x128xf32, #tpu.memory_space<vmem>>, %arg2: memref<128x128xf32, #tpu.memory_space<vmem>>, %arg3: memref<1x128xf32, #tpu.memory_space<vmem>>, %arg4: memref<1x128xf32, #tpu.memory_space<vmem>>, %arg5: memref<1x128xf32, #tpu.memory_space<vmem>>, %arg6: memref<10000x128xf32, #tpu.memory_space<vmem>>) attributes {dimension_semantics = [], scalar_prefetch = 0 : i64, scratch_operands = 0 : i64, tpu.core_type = #tpu.core_type<tc>} {
    %get3A = arith.constant 0 : index
    %get3A_0 = arith.constant 0 : index
    %get3A_1 = vector.load %arg0[%get3A, %get3A_0] : memref<10000x128xf32, #tpu.memory_space<vmem>>, vector<10000x128xf32>
    %get3A_2 = arith.constant 0 : index
    %get3A_3 = arith.constant 0 : index
    %get3A_4 = arith.constant 0 : index
    %get3A_5 = vector.load %arg1[%get3A_2, %get3A_3, %get3A_4] : memref<2x10000x128xf32, #tpu.memory_space<vmem>>, vector<1x10000x128xf32>
    %get3A_6 = vector.shape_cast %get3A_5 : vector<1x10000x128xf32> to vector<10000x128xf32>
    %add3A = arith.addf %get3A_1, %get3A_6 : vector<10000x128xf32>
    %get3A_7 = arith.constant 1 : index
    %get3A_8 = arith.constant 0 : index
    %get3A_9 = arith.constant 0 : index
    %get3A_10 = vector.load %arg1[%get3A_7, %get3A_8, %get3A_9] : memref<2x10000x128xf32, #tpu.memory_space<vmem>>, vector<1x10000x128xf32>
    %get3A_11 = vector.shape_cast %get3A_10 : vector<1x10000x128xf32> to vector<10000x128xf32>
    %add3A_12 = arith.addf %add3A, %get3A_11 : vector<10000x128xf32>
    %get3A_13 = arith.constant 0 : index
    %get3A_14 = arith.constant 0 : index
    %get3A_15 = vector.load %arg2[%get3A_13, %get3A_14] : memref<128x128xf32, #tpu.memory_space<vmem>>, vector<128x128xf32>
    %transpose3A = tpu.transpose %get3A_15, [1, 0] : vector<128x128xf32> -> vector<128x128xf32>
    %dot_general3A = arith.constant dense<0.000000e+00> : vector<10000x128xf32>
    %dot_general3A_16 = tpu.matmul %add3A_12, %transpose3A, %dot_general3A {dimension_numbers = #tpu.dot_dimension_numbers<[1], [0], [0], [1], [0, 0, 1, 1], [], []>, transpose_lhs_hint = false} : vector<10000x128xf32>, vector<128x128xf32>, vector<10000x128xf32> -> vector<10000x128xf32>
    %get3A_17 = arith.constant 0 : index
    %get3A_18 = arith.constant 0 : index
    %get3A_19 = vector.load %arg3[%get3A_17, %get3A_18] : memref<1x128xf32, #tpu.memory_space<vmem>>, vector<1x128xf32>
    %add3A_20 = vector.broadcast %get3A_19 : vector<1x128xf32> to vector<10000x128xf32>
    %add3A_21 = arith.addf %dot_general3A_16, %add3A_20 : vector<10000x128xf32>
    %reduce_sum3A = arith.constant dense<0.000000e+00> : vector<128xf32>
    %reduce_sum3A_22 = vector.multi_reduction <add>, %add3A_21, %reduce_sum3A [0] : vector<10000x128xf32> to vector<128xf32>
    %broadcast_in_dim3A = vector.shape_cast %reduce_sum3A_22 : vector<128xf32> to vector<1x128xf32>
    %div3A = arith.constant 1.000000e+04 : f32
    %div3A_23 = vector.broadcast %div3A : f32 to vector<1x128xf32>
    %div3A_24 = arith.divf %broadcast_in_dim3A, %div3A_23 : vector<1x128xf32>
    %sub3A = vector.broadcast %div3A_24 : vector<1x128xf32> to vector<10000x128xf32>
    %sub3A_25 = arith.subf %add3A_21, %sub3A : vector<10000x128xf32>
    %integer_pow3A = arith.mulf %sub3A_25, %sub3A_25 : vector<10000x128xf32>
    %reduce_sum3A_26 = arith.constant dense<0.000000e+00> : vector<128xf32>
    %reduce_sum3A_27 = vector.multi_reduction <add>, %integer_pow3A, %reduce_sum3A_26 [0] : vector<10000x128xf32> to vector<128xf32>
    %broadcast_in_dim3A_28 = vector.shape_cast %reduce_sum3A_27 : vector<128xf32> to vector<1x128xf32>
    %div3A_29 = arith.constant 1.000000e+04 : f32
    %div3A_30 = vector.broadcast %div3A_29 : f32 to vector<1x128xf32>
    %div3A_31 = arith.divf %broadcast_in_dim3A_28, %div3A_30 : vector<1x128xf32>
    %sub3A_32 = vector.broadcast %div3A_24 : vector<1x128xf32> to vector<10000x128xf32>
    %sub3A_33 = arith.subf %add3A_21, %sub3A_32 : vector<10000x128xf32>
    %add3A_34 = arith.constant 9.99999974E-6 : f32
    %add3A_35 = vector.broadcast %add3A_34 : f32 to vector<1x128xf32>
    %add3A_36 = arith.addf %div3A_31, %add3A_35 : vector<1x128xf32>
    %rsqrt3A = math.rsqrt %add3A_36 : vector<1x128xf32>
    %mul3A = vector.broadcast %rsqrt3A : vector<1x128xf32> to vector<10000x128xf32>
    %mul3A_37 = arith.mulf %sub3A_33, %mul3A : vector<10000x128xf32>
    %get3A_38 = arith.constant 0 : index
    %get3A_39 = arith.constant 0 : index
    %get3A_40 = vector.load %arg4[%get3A_38, %get3A_39] : memref<1x128xf32, #tpu.memory_space<vmem>>, vector<1x128xf32>
    %mul3A_41 = vector.broadcast %get3A_40 : vector<1x128xf32> to vector<10000x128xf32>
    %mul3A_42 = arith.mulf %mul3A_37, %mul3A_41 : vector<10000x128xf32>
    %get3A_43 = arith.constant 0 : index
    %get3A_44 = arith.constant 0 : index
    %get3A_45 = vector.load %arg5[%get3A_43, %get3A_44] : memref<1x128xf32, #tpu.memory_space<vmem>>, vector<1x128xf32>
    %add3A_46 = vector.broadcast %get3A_45 : vector<1x128xf32> to vector<10000x128xf32>
    %add3A_47 = arith.addf %mul3A_42, %add3A_46 : vector<10000x128xf32>
    %swap3A = arith.constant 0 : index
    %swap3A_48 = arith.constant 0 : index
    %swap3A_49 = vector.load %arg6[%swap3A, %swap3A_48] : memref<10000x128xf32, #tpu.memory_space<vmem>>, vector<10000x128xf32>
    tpu.vector_store %arg6[%swap3A, %swap3A_48], %add3A_47 {strides = array<i32>} : memref<10000x128xf32, #tpu.memory_space<vmem>>, vector<10000x128xf32>,
    return
  }
}

</mosaic_0001>

<sc_bundles>
// kernel: kernel.5.cloned.1.call-start
scs
__scs_entry_jumppad:
0x0: {  	(pc) =	sbr.rel $0x88, $3  }
0x1: {  	(tag) =	ssettag $0x0;
	lr =	simm.s32 $0x1  }
0x2: {  	[smem:$0x3F9B] =	sst lr;
	_ =	strace $0xD0000000  }
0x3: {  	_ = 	snop  }
0x4: {  	_ = 	snop  }
0x5: {  	_ = 	snop  }
0x6: {  	_ = 	snop  }
0x7: {  	_ = 	snop  }
__scs_overlays_trampoline_lowered:
0x8: {  	[smem:$0x3FAA] =	sst s0  }
0x9: {  	[smem:$0x3FAB] =	sst s1  }
0xa: {  	[smem:$0x3FAC] =	sst s2  }
0xb: {  	[smem:$0x3FAD] =	sst s3  }
0xc: {  	[smem:$0x3FAE] =	sst s4  }
0xd: {  	[smem:$0x3FAF] =	sst s5  }
0xe: {  	[smem:$0x3FB0] =	sst s6  }
0xf: {  	[smem:$0x3FB1] =	sst s7  }
0x10: {  	[smem:$0x3FB2] =	sst s8  }
0x11: {  	[smem:$0x3FB3] =	sst s9;
	s0 =	simm.s32 @!p0 $0x0  }
0x12: {  	s1 =	sld [smem:$0x3F99];
	s0 =	simm.s32 @p0 $0x1  }
0x13: {  	[smem:$0x3FB4] =	sst s0;
	s0 =	simm.s32 @!p1 $0x0  }
0x14: {  	s2 =	sld [smem:$0x3F98];
	s0 =	simm.s32 @p1 $0x1  }
0x15: {  	[smem:$0x3FB5] =	sst s0;
	s0 =	simm.s32 @!p2 $0x0  }
0x16: {  	s3 =	sld [smem:$0x3FDB];
	s0 =	simm.s32 @p2 $0x1  }
0x17: {  	s4 =	simm.s32 $0x1BF5;
	[smem:$0x3FB7] =	sst s0  }
0x18: {  	s0 =	sld [smem:$0x3F9A];
	_ =	swait.ge [sflag:s4], $0x0  }
0x19: {  	s7 =	sld [smem:$0x3F9B]  }
0x1a: {  	s8 =	sadd.s32 $0xFFFFE003, lr  }
0x1b: {  	s9 =	sadd.s32 $0xFFFFFEF7, lr;
	s5 =	simm.s32 $0xFFFFFFFF;
	p2 =	slt.u32 s8, $0xFFFFF086  }
0x1c: {  	p1 =	slt.u32 s9, $0xF7A;
	s5 =	simm.s32 @!p2 $0x0  }
0x1d: {  	s5 =	simm.s32 @p1 $0x1;
	p0 =	seq.s32 s7, s2  }
0x1e: {  	s7 =	smul.u32 @!p0 $0xF7A, s2;
	p2 =	seq.s32 @!p0 s5, $0x0  }
0x1f: {  	s9 =	smul.u32 $0xF7A, s1;
	s8 =	simm.s32 @!p0 $0x1BF5;
	p2 =	por !p2, p0  }
0x20: {  	[sflag:s8] =	ssyncset.s32 @!p0 $0xFFFFF086;
	s6 =	sadd.s32 @!p0 s3, s7;
	s7 =	simm.s32 @!p0 $0x108  }
0x21: {  	s3 =	sadd.s32 s3, s9;
	s6 =	sadd.s32 @!p0 $0x88, s6;
	s7 =	simm.s32 @p2 $0x1082  }
0x22: {  	[simem:s7], [sflag:s8] =	dma.local @!p0 [hbm:s6], $0xF7A  }
0x23: {  	s9 =	sor.u32 $0xD0000000, s2;
	s6 =	simm.s32 $0x108;
	_ =	swait.ge @!p0 [sflag:s8], $0x0  }
0x24: {  	s3 =	sadd.s32 $0x88, s3;
	s6 =	simm.s32 @!p1 $0x1082;
	[sflag:s4] =	ssyncset.s32 $0xFFFFF086  }
0x25: {  	[simem:s6], [sflag:s4] =	dma.local [hbm:s3], $0xF7A  }
0x26: {  	[smem:$0x3F9B] =	sst s1;
	(tag) =	ssettag s2;
	_ =	strace s9  }
0x27: {  	s1 =	sld [smem:$0x3FAB]  }
0x28: {  	s2 =	sld [smem:$0x3FAC]  }
0x29: {  	s4 =	sld [smem:$0x3FAE]  }
0x2a: {  	p0 =	seq.s32 s5, $0x0;
	s5 =	sld [smem:$0x3FAF]  }
0x2b: {  	s6 =	sld [smem:$0x3FB0]  }
0x2c: {  	s7 =	sld [smem:$0x3FB1]  }
0x2d: {  	s3 =	simm.s32 $0x108;
	s8 =	sld [smem:$0x3FB2]  }
0x2e: {  	s3 =	simm.s32 @!p0 $0x1082;
	s9 =	sld [smem:$0x3FB3]  }
0x2f: {  	lr =	sadd.s32 s0, s3;
	s0 =	sld [smem:$0x3FAA]  }
0x30: {  	s3 =	sld [smem:$0x3FAD]  }
0x31: {  	[smem:$0x3FB6] =	sst s10  }
0x32: {  	s10 =	sld [smem:$0x3FB4];
	_ =	sdelay $0x3  }
0x33: {  	p0 =	seq.s32 s10, $0x1;
	s10 =	sld [smem:$0x3FB6];
	_ =	sdelay $0x3  }
0x34: {  	[smem:$0x3FB6] =	sst s10  }
0x35: {  	s10 =	sld [smem:$0x3FB5];
	_ =	sdelay $0x3  }
0x36: {  	p1 =	seq.s32 s10, $0x1;
	s10 =	sld [smem:$0x3FB6];
	_ =	sdelay $0x3  }
0x37: {  	[smem:$0x3FB6] =	sst s10  }
0x38: {  	s10 =	sld [smem:$0x3FB7]  }
0x39: {  	_ = 	snop;
	(pc) =	sbr.ind lr, $3  }
0x3a: {  	_ = 	snop  }
0x3b: {  	_ = 	snop  }
0x3c: {  	p2 =	seq.s32 s10, $0x1;
	s10 =	sld [smem:$0x3FB6]  }
0x3d: {  	_ =	shalt  }
0x3e: {  	_ =	shalt  }
0x3f: {  	_ =	shalt  }
0x40: {  	_ =	shalt  }
0x41: {  	_ =	shalt  }
0x42: {  	_ =	shalt  }
0x43: {  	_ =	shalt  }
0x44: {  	_ =	shalt  }
0x45: {  	_ =	shalt  }
0x46: {  	_ =	shalt  }
0x47: {  	_ =	shalt  }
0x48: {  	_ =	shalt  }
0x49: {  	_ =	shalt  }
0x4a: {  	_ =	shalt  }
0x4b: {  	_ =	shalt  }
0x4c: {  	_ =	shalt  }
0x4d: {  	_ =	shalt  }
0x4e: {  	_ =	shalt  }
0x4f: {  	_ =	shalt  }
0x50: {  	_ =	shalt  }
0x51: {  	_ =	shalt  }
0x52: {  	_ =	shalt  }
0x53: {  	_ =	shalt  }
0x54: {  	_ =	shalt  }
0x55: {  	_ =	shalt  }
0x56: {  	_ =	shalt  }
0x57: {  	_ =	shalt  }
0x58: {  	_ =	shalt  }
0x59: {  	_ =	shalt  }
0x5a: {  	_ =	shalt  }
0x5b: {  	_ =	shalt  }
0x5c: {  	_ =	shalt  }
0x5d: {  	_ =	shalt  }
0x5e: {  	_ =	shalt  }
0x5f: {  	_ =	shalt  }
0x60: {  	_ =	shalt  }
0x61: {  	_ =	shalt  }
0x62: {  	_ =	shalt  }
0x63: {  	_ =	shalt  }
0x64: {  	_ =	shalt  }
0x65: {  	_ =	shalt  }
0x66: {  	_ =	shalt  }
0x67: {  	_ =	shalt  }
0x68: {  	_ =	shalt  }
0x69: {  	_ =	shalt  }
0x6a: {  	_ =	shalt  }
0x6b: {  	_ =	shalt  }
0x6c: {  	_ =	shalt  }
0x6d: {  	_ =	shalt  }
0x6e: {  	_ =	shalt  }
0x6f: {  	_ =	shalt  }
0x70: {  	_ =	shalt  }
0x71: {  	_ =	shalt  }
0x72: {  	_ =	shalt  }
0x73: {  	_ =	shalt  }
0x74: {  	_ =	shalt  }
0x75: {  	_ =	shalt  }
0x76: {  	_ =	shalt  }
0x77: {  	_ =	shalt  }
0x78: {  	_ =	shalt  }
0x79: {  	_ =	shalt  }
0x7a: {  	_ =	shalt  }
0x7b: {  	_ =	shalt  }
0x7c: {  	_ =	shalt  }
0x7d: {  	_ =	shalt  }
0x7e: {  	_ =	shalt  }
0x7f: {  	_ =	shalt  }
0x80: {  	_ =	shalt  }
0x81: {  	_ =	shalt  }
0x82: {  	_ =	shalt  }
0x83: {  	_ =	shalt  }
0x84: {  	_ =	shalt  }
0x85: {  	_ =	shalt  }
0x86: {  	_ =	shalt  }
0x87: {  	_ =	shalt  }
.Lfunc_end0:
.L_simem_size_0:
called_computation_lowered:
.L_overlay_start_0:
0x88: {  	s2 =	sld [smem:$0x3FD9]  }
0x89: {  	s3 =	sld [smem:$0x3FFE];
	_ =	sdelay $0x1  }
0x8a: {  	s1 =	srdreg.scid  }
0x8b: {  	s0 =	sand.u32 $0x1, s1  }
0x8c: {  	s17 =	sshll.u32 s0, $0xA;
	s2 =	sadd.s32 s3, s2  }
0x8d: {  	s2 =	sadd.s32 s2, s17  }
0x8e: {  	[smem:$0x3FC2] =	sst s2  }
0x8f: {  	_ = 	snop  }
0x90: {  	s2 =	sld [smem:$0x3FD0];
	(tm) =	ssettm $0x1  }
0x91: {  	s18 =	sld [smem:$0x3FFB];
	_ =	sdelay $0x3  }
0x92: {  	_ =	strace s18  }
0x93: {  	s3 =	sld [smem:$0x3FFC];
	_ =	sdelay $0x3  }
0x94: {  	_ =	strace s3  }
0x95: {  	s3 =	sld [smem:$0x3FFD];
	_ =	sdelay $0x3  }
0x96: {  	_ =	strace s3  }
0x97: {  	_ =	strace $0x8FFFFFFF  }
0x98: {  	s19 =	sld [smem:$0x3FDB];
	_ =	sdelay $0x1  }
0x99: {  	s4 =	simm.s32 $_scs_section_size  }
0x9a: {  	s5 =	simm.s32 $_size__tile_overlayer_lowered;
	s6 =	simm.s32 $_tile_overlayer_lowered  }
0x9b: {  	s22 =	simm.s32 $0x1BFF;
	s21 =	sshll.u32 s6, $0x1;
	s3 =	sadd.s32 s4, s19  }
0x9c: {  	s7 =	simm.s32 $0x0;
	s20 =	sshll.u32 s5, $0x1;
	s5 =	sadd.s32 s21, s3  }
0x9d: {  	[timem:s7], [sflag:s22] =	dma.local [hbm:s5], s20  }
0x9e: {  	_ =	swait.ge [sflag:s22], s20  }
0x9f: {  	s4 =	ssub.s32 $0x0, s20;
	[sflag:s22] =	ssyncset.done $0x0  }
0xa0: {  	[sflag:s22] =	ssyncadd.s32 s4;
	_ =	sdelay $0x1  }
0xa1: {  	s23 =	simm.s32 $0x1B8B  }
0xa2: {  	_ =	swait.ge [sflag:s23], $0x1  }
0xa3: {  	[sflag:s23] =	ssyncset.done $0x0  }
0xa4: {  	s25 =	simm.s32 $0x1B8E;
	s24 =	sld [smem:$0x3FFE];
	[sflag:s23] =	ssyncadd.s32 $0xFFFFFFFF  }
0xa5: {  	s26 =	simm.s32 $execute0_lowered;
	[smem:$0x3FD2] =	sst s25  }
0xa6: {  	s5 =	sshll.u32 s26, $0x1;
	_ =	strace $0x80000046;
	[dreg:$0x1] =	wrdreg $0xFFFFFFFF  }
0xa7: {  	s28 =	simm.s32 $_size_execute0_lowered;
	s3 =	sadd.s32 s3, s5;
	[dreg:$0x0] =	wrdreg $0x0  }
0xa8: {  	s5 =	sshll.u32 s28, $0x1;
	[dreg:$0x2] =	wrdreg s3  }
0xa9: {  	[dreg:$0x3] =	wrdreg s5  }
0xaa: {  	[dreg:$0x4] =	wrdreg $0xC0  }
0xab: {  	_ =	task [dreg:s7], $0x5FFFF  }
0xac: {  	[dreg:$0x1] =	wrdreg $0xFFFFFFFF  }
0xad: {  	[dreg:$0x0] =	wrdreg $0x60  }
0xae: {  	[dreg:$0x2] =	wrdreg s2  }
0xaf: {  	[dreg:$0x3] =	wrdreg s24  }
0xb0: {  	[dreg:$0x4] =	wrdreg $0xC6000  }
0xb1: {  	[dreg:$0x5] =	wrdreg $0x9  }
0xb2: {  	_ =	task.clear_ibuf [dreg:s7], $0x6FFFF;
	_ =	strace $0x90000046  }
0xb3: {  	s29 =	simm.s32 $0x9;
	_ =	strace $0x80000048  }
0xb4: {  	_ =	swait.ge [sflag:s29], $0x1  }
0xb5: {  	[sflag:s29] =	ssyncadd.s32 $0xFFFFFFFF  }
0xb6: {  	_ =	strace $0x90000048  }
0xb7: {  	_ =	sfence  }
0xb8: {  	s30 =	sld [smem:$0x0];
	_ =	sdelay $0x2  }
0xb9: {  	s31 =	sshll.u32 s1, $0xD;
	s1 =	sshrl.u32 s1, $0x2  }
0xba: {  	s3 =	sand.u32 $0x4000, s31;
	s1 =	sadd.s32 s1, s30  }
0xbb: {  	s0 =	sor.u32 s3, s0;
	s1 =	sshll.u32 s1, $0x11  }
0xbc: {  	s0 =	sor.u32 s1, s0  }
0xbd: {  	s0 =	sadd.s32 $0x8F2B, s0  }
0xbe: {  	[sflag:s0] =	ssyncadd.remote.s32 $0x1  }
0xbf: {  	_ =	sfence.sel $0xFFFF  }
0xc0: {  	[dreg:$0x0] =	wrdreg $0xFFFFFFFF;
	(pc) =	sbr.abs _section_cstart, $3  }
0xc1: {  	[dreg:$0x1] =	wrdreg $0xFFFFFFFF  }
0xc2: {  	_ =	task.clear_ibuf [dreg:s7], $0x2FFFF;
	_ =	strace $0x9FFFFFFF  }
0xc3: {  	(tm) =	ssettm $0x7FFFFFFF  }
tec
execute0_lowered:
.L_overlay_start_1:
0x0: {  	(tag) =	ssettag $0x1  }
0x1: {  	s2 =	rddreg [dreg:$0x0]  }
0x2: {  	s0 =	rddreg [dreg:$0x1]  }
0x3: {  	s3 =	rddreg [dreg:$0x2];
	s14 =	stileid.u32;
	s4 =	simm.s32 $0x0  }
0x4: {  	s5 =	srdreg.scid;
	s29 =	simm.s32 $0x80;
	s28 =	simm.s32 $0x300  }
0x5: {  	s31 =	simm.s32 $0x480;
	s30 =	simm.s32 $0xB;
	s1 =	smul.u32 $0x13800, s14  }
0x6: {  	[smem:$0x7FF] =	sst s4;
	s6 =	sadd.s32 $0x1800, s0;
	s7 =	sand.u32 $0x1, s5  }
0x7: {  	s8 =	sadd.s32 $0x3C400, s0;
	s11 =	smul.u32 $0x4E000, s14;
	s22 =	sshll.u32 s14, $0x6  }
0x8: {  	s15 =	sadd.s32 $0x138000, s3;
	s26 =	smul.u32 $0x4E, s14;
	p1 =	sne.s32 s14, $0xF  }
0x9: {  	_ =	strace $0x80000047;
	s5 =	ssub.s32 $0x2, s7;
	s23 =	smul.u32 $0x138800, s7  }
0xa: {  	s9 =	sshll.u32 s7, $0x4;
	[dreg:$0xc] =	wrdreg s22;
	s25 =	smul.u32 $0x4E0, s7  }
0xb: {  	[dreg:$0xe] =	wrdreg s15;
	s21 =	sshrl.u32 s1, $0x3;
	s10 =	sshrl.u32 s5, $0x1  }
0xc: {  	s9 =	sor.u32 s14, s9;
	s11 =	sshrl.u32 s11, $0x2;
	s4 =	sadd.s32 s21, s0  }
0xd: {  	s10 =	ssub.s32 s5, s10;
	s12 =	smul.u32 $0x4E, s9;
	s13 =	smin.u32 s9, $0x4  }
0xe: {  	p0 =	slt.u32 s9, $0x4;
	s5 =	simm.s32 $0x4F;
	s11 =	sadd.s32 s11, s3  }
0xf: {  	s0 =	sadd.s32 $0x3C200, s0;
	s17 =	sadd.s32 s1, s23;
	[dreg:$0xa] =	wrdreg s11  }
0x10: {  	s4 =	sadd.s32 $0x15200, s4;
	s11 =	sor.u32 $0x1C0A, s22;
	[dreg:$0x10] =	wrdreg s0  }
0x11: {  	s0 =	sshrl.u32 s17, $0x3;
	s22 =	sshrl.u32 s23, $0x3;
	[dreg:$0xb] =	wrdreg s4  }
0x12: {  	s23 =	smul.u32 $0x4E00, s7;
	s12 =	sadd.s32 s13, s12;
	[dreg:$0xd] =	wrdreg s11  }
0x13: {  	s0 =	sadd.s32 s8, s0;
	s1 =	sadd.s32 s8, s22;
	s24 =	sshll.u32 s12, $0x4  }
0x14: {  	[dreg:$0x14] =	wrdreg s0;
	s4 =	sadd.s32 s23, s6;
	s23 =	sadd.s32 $0x27000, s1  }
0x15: {  	s19 =	sadd.s32 s26, s25;
	s15 =	sadd.s32 s6, s24;
	[dreg:$0x1b] =	wrdreg s23  }
0x16: {  	s5 =	simm.s32 @!p0 $0x4E;
	s16 =	sadd.s32 $0x9C40, s15;
	[dreg:$0xf] =	wrdreg s15  }
0x17: {  	s21 =	sadd.s32 s13, s19;
	s18 =	sadd.s32 $0x10, s15;
	[dreg:$0x11] =	wrdreg s16  }
0x18: {  	s0 =	sshll.u32 s21, $0x4;
	s20 =	sadd.s32 $0x9C50, s15;
	[dreg:$0x12] =	wrdreg s18  }
0x19: {  	s0 =	sadd.s32 s0, s6;
	s25 =	sadd.s32 $0x20, s15;
	[dreg:$0x13] =	wrdreg s20  }
0x1a: {  	p0 =	sgt.u32 s9, $0x3;
	s26 =	sadd.s32 $0xB0, s0;
	[dreg:$0x15] =	wrdreg s25  }
0x1b: {  	s7 =	simm.s32 $0x180;
	s11 =	sadd.s32 $0x9C60, s15;
	[dreg:$0x4] =	wrdreg s26  }
0x1c: {  	s9 =	simm.s32 $0x500;
	s8 =	sadd.s32 $0xA0, s0;
	[dreg:$0x16] =	wrdreg s11  }
0x1d: {  	s13 =	sshll.u32 s13, $0x4;
	s12 =	sadd.s32 $0x90, s0;
	[dreg:$0x5] =	wrdreg s8  }
0x1e: {  	s24 =	smul.u32 $0x4E0, s14;
	s17 =	sadd.s32 $0x70, s0;
	[dreg:$0x6] =	wrdreg s12  }
0x1f: {  	s23 =	simm.s32 $0x4;
	s21 =	sadd.s32 $0x40, s15;
	[dreg:$0x8] =	wrdreg s17  }
0x20: {  	s6 =	simm.s32 $0x0;
	s22 =	sadd.s32 $0x9C80, s15;
	[dreg:$0x19] =	wrdreg s21  }
0x21: {  	s14 =	simm.s32 $0x500;
	s16 =	sadd.s32 $0x80, s0;
	[dreg:$0x1a] =	wrdreg s22  }
0x22: {  	s4 =	sadd.s32 s24, s4;
	s18 =	sadd.s32 $0x30, s15;
	[dreg:$0x7] =	wrdreg s16  }
0x23: {  	s0 =	sadd.s32 $0x60, s0;
	s20 =	sadd.s32 $0x9C70, s15;
	[dreg:$0x17] =	wrdreg s18  }
0x24: {  	s24 =	smax.u32 s10, $0x1;
	s25 =	sadd.s32 $0x50, s15;
	[dreg:$0x18] =	wrdreg s20  }
0x25: {  	s26 =	sadd.s32 $0x9C90, s15;
	s10 =	simm.s32 $0x280;
	[dreg:$0x9] =	wrdreg s0  }
0x26: {  	s12 =	simm.s32 $0x380;
	s11 =	simm.s32 $0x580;
	[dreg:$0x1c] =	wrdreg s24  }
0x27: {  	s17 =	simm.s32 $0x4600;
	s22 =	simm.s32 $0x7;
	[dreg:$0x1d] =	wrdreg s25  }
0x28: {  	s19 =	sadd.s32 s13, s4;
	[dreg:$0x1e] =	wrdreg s26;
	s13 =	simm.s32 $0x400  }
0x29: {  	s16 =	simm.s32 $0x600;
	s20 =	simm.s32 $0x8600;
	s0 =	simm.s32 $0x8  }
0x2a: {  	s24 =	simm.s32 $0x5;
	s25 =	simm.s32 $0x9;
	s26 =	simm.s32 $0x6  }
.LBB2_1:
0x2b: {  	[dreg:$0x1f] =	wrdreg s6  }
0x2c: {  	s1 =	rddreg [dreg:$0xa]  }
0x2d: {  	s21 =	rddreg [dreg:$0xb]  }
0x2e: {  	s4 =	rddreg [dreg:$0xd];
	s18 =	sshrl.u32 s1, $0x3  }
0x2f: {  	[smem:$0x7FC] =	sst s18  }
0x30: {  	[spmem:s18], [sflag:s4] =	dma.local [hbm:s21], $0x2700  }
0x31: {  	s1 =	rddreg [dreg:$0xe]  }
0x32: {  	s6 =	sshrl.u32 @!p1 s1, $0x3;
	s1 =	rddreg [dreg:$0x10]  }
0x33: {  	[smem:$0x7FD] =	sst s6  }
0x34: {  	[spmem:s6], [sflag:s4] =	dma.local @!p1 [hbm:s1], $0x100  }
0x35: {  	s1 =	simm.s32 $0x0;
	s4 =	rddreg [dreg:$0xf]  }
0x36: {  	[tilespmem:s1], [sflag:$0x1] =	stream.linear.gather [hbm4b:s4+s1], $0x80, $0x38;
	[tilespmem:$0x1FE80] =	vst v63  }
0x37: {  	s8 =	rddreg [dreg:$0x11]  }
0x38: {  	[tilespmem:s29], [sflag:$0x1] =	stream.linear.gather [hbm4b:s8+s1], $0x80, $0x38;
	[tilespmem:$0x1FE80] =	vst v63  }
0x39: {  	s6 =	simm.s32 $0x100;
	s15 =	rddreg [dreg:$0x12]  }
0x3a: {  	[tilespmem:s6], [sflag:$0x2] =	stream.linear.gather [hbm4b:s15+s1], $0x80, $0x38;
	[tilespmem:$0x1FE80] =	vst v63  }
0x3b: {  	s18 =	rddreg [dreg:$0x13]  }
0x3c: {  	[tilespmem:s7], [sflag:$0x2] =	stream.linear.gather [hbm4b:s18+s1], $0x80, $0x38;
	[tilespmem:$0x1FE80] =	vst v63  }
0x3d: {  	s21 =	rddreg [dreg:$0x15];
	s8 =	simm.s32 $0x200  }
0x3e: {  	[tilespmem:s8], [sflag:$0x3] =	stream.linear.gather [hbm4b:s21+s1], $0x80, $0x38;
	[tilespmem:$0x1FE80] =	vst v63  }
0x3f: {  	s15 =	rddreg [dreg:$0x16]  }
0x40: {  	[tilespmem:s10], [sflag:$0x3] =	stream.linear.gather [hbm4b:s15+s1], $0x80, $0x38;
	[tilespmem:$0x1FE80] =	vst v63  }
0x41: {  	s18 =	rddreg [dreg:$0x17]  }
0x42: {  	[tilespmem:s28], [sflag:$0x4] =	stream.linear.gather [hbm4b:s18+s1], $0x80, $0x38;
	[tilespmem:$0x1FE80] =	vst v63  }
0x43: {  	s21 =	rddreg [dreg:$0x18]  }
0x44: {  	[tilespmem:s12], [sflag:$0x4] =	stream.linear.gather [hbm4b:s21+s1], $0x80, $0x38;
	[tilespmem:$0x1FE80] =	vst v63  }
0x45: {  	s15 =	rddreg [dreg:$0x19]  }
0x46: {  	[tilespmem:s13], [sflag:$0x5] =	stream.linear.gather [hbm4b:s15+s1], $0x80, $0x38;
	[tilespmem:$0x1FE80] =	vst v63  }
0x47: {  	s18 =	rddreg [dreg:$0x1a]  }
0x48: {  	[tilespmem:s31], [sflag:$0x5] =	stream.linear.gather [hbm4b:s18+s1], $0x80, $0x38;
	[tilespmem:$0x1FE80] =	vst v63  }
0x49: {  	s21 =	rddreg [dreg:$0x1d]  }
0x4a: {  	[tilespmem:s9], [sflag:$0x6] =	stream.linear.gather [hbm4b:s21+s1], $0x80, $0x38;
	[tilespmem:$0x1FE80] =	vst v63  }
0x4b: {  	s9 =	rddreg [dreg:$0x1e]  }
0x4c: {  	[tilespmem:s11], [sflag:$0x6] =	stream.linear.gather [hbm4b:s9+s1], $0x80, $0x38;
	[tilespmem:$0x1FE80] =	vst v63  }
0x4d: {  	s11 =	simm.s32 $0x1  }
0x4e: {  	_ =	swait.ge [sflag:s11], $0x80  }
0x4f: {  	[sflag:s11] =	ssyncset.done $0x0  }
0x50: {  	[sflag:s11] =	ssyncadd.s32 $0xFFFFFF80  }
0x51: {  	_ =	swait.ge [sflag:s11], $0x80  }
0x52: {  	[sflag:s11] =	ssyncset.done $0x0  }
0x53: {  	s15 =	simm.s32 $0x2;
	[sflag:s11] =	ssyncadd.s32 $0xFFFFFF80  }
0x54: {  	[tilespmem:s16], [sflag:$0x7] =	stream.indirect.gather [hbm4b:s2+s29], $0x80, s1, s29, $0xb8;
	[tilespmem:$0x1FE80] =	vst v63  }
0x55: {  	_ =	swait.ge [sflag:s15], $0x80  }
0x56: {  	[sflag:s15] =	ssyncset.done $0x0  }
0x57: {  	[sflag:s15] =	ssyncadd.s32 $0xFFFFFF80  }
0x58: {  	_ =	swait.ge [sflag:s15], $0x80  }
0x59: {  	[sflag:s15] =	ssyncset.done $0x0  }
0x5a: {  	s18 =	simm.s32 $0x3;
	[sflag:s15] =	ssyncadd.s32 $0xFFFFFF80  }
0x5b: {  	[tilespmem:s17], [sflag:$0x8] =	stream.indirect.gather [hbm4b:s2+s29], $0x80, s6, s29, $0xb8;
	[tilespmem:$0x1FE80] =	vst v63  }
0x5c: {  	_ =	swait.ge [sflag:s18], $0x80  }
0x5d: {  	[sflag:s18] =	ssyncset.done $0x0  }
0x5e: {  	[sflag:s18] =	ssyncadd.s32 $0xFFFFFF80  }
0x5f: {  	_ =	swait.ge [sflag:s18], $0x80  }
0x60: {  	[sflag:s18] =	ssyncset.done $0x0  }
0x61: {  	s21 =	simm.s32 $0xA;
	[sflag:s18] =	ssyncadd.s32 $0xFFFFFF80  }
0x62: {  	[tilespmem:s20], [sflag:$0x9] =	stream.indirect.gather [hbm4b:s2+s29], $0x80, s8, s29, $0xb8;
	[tilespmem:$0x1FE80] =	vst v63  }
0x63: {  	_ =	swait.ge [sflag:s21], $0x2700  }
0x64: {  	[sflag:s21] =	ssyncset.done $0x0  }
0x65: {  	s4 =	simm.s32 @!p1 $0xA;
	[sflag:s21] =	ssyncadd.s32 $0xFFFFD900  }
0x66: {  	_ =	swait.ge @!p1 [sflag:s4], $0x100  }
0x67: {  	[sflag:s4] =	ssyncset.done @!p1 $0x0  }
0x68: {  	[sflag:s4] =	ssyncadd.s32 @!p1 $0xFFFFFF00  }
0x69: {  	[bflag:$0x0] =	sbarrier.arrive $0xFFFF  }
0x6a: {  	_ =	swait.ge [sflag:s22], $0x4000  }
0x6b: {  	[sflag:s22] =	ssyncset.done $0x0  }
0x6c: {  	[sflag:s22] =	ssyncadd.s32 $0xFFFFC000  }
0x6d: {  	[spmem:s3] =	stream.indirect.scatter.add.f32 [tilespmem:s16], [sflag:$0xB], $0x80, s29, s29, $0xb8;
	[tilespmem:$0x1FE80] =	vst v63  }
0x6e: {  	p4 =	sle.u32 s5, $0x6;
	_ =	swait.ge [sflag:s30], $0x4000  }
0x6f: {  	s9 =	simm.s32 @!p4 $0x0;
	s4 =	rddreg [dreg:$0x9];
	[sflag:s30] =	ssyncset.done $0x0  }
0x70: {  	s8 =	sadd.s32 @!p4 $0x0, s19;
	[sflag:s30] =	ssyncadd.s32 $0xFFFFC000;
	s4 =	sadd.s32 @!p4 $0x0, s4  }
0x71: {  	[tilespmem:s9], [sflag:$0x1] =	stream.linear.gather @!p4 [hbm4b:s4+s9], $0x80, $0x38;
	[tilespmem:$0x1FE80] =	vst v63  }
0x72: {  	s11 =	simm.s32 @!p4 $0x80;
	s4 =	sadd.s32 @!p4 $0x9CA0, s8  }
0x73: {  	[tilespmem:s11], [sflag:$0x1] =	stream.linear.gather @!p4 [hbm4b:s4+s9], $0x80, $0x38;
	[tilespmem:$0x1FE80] =	vst v63  }
0x74: {  	_ =	swait.ge [sflag:s23], $0x80  }
0x75: {  	[sflag:s23] =	ssyncset.done $0x0  }
0x76: {  	[sflag:s23] =	ssyncadd.s32 $0xFFFFFF80  }
0x77: {  	_ =	swait.ge [sflag:s23], $0x80  }
0x78: {  	[sflag:s23] =	ssyncset.done $0x0  }
0x79: {  	[sflag:s23] =	ssyncadd.s32 $0xFFFFFF80  }
0x7a: {  	[tilespmem:s16], [sflag:$0x7] =	stream.indirect.gather [hbm4b:s2+s29], $0x80, s28, s29, $0xb8;
	[tilespmem:$0x1FE80] =	vst v63  }
0x7b: {  	_ =	swait.ge [sflag:s0], $0x4000  }
0x7c: {  	[sflag:s0] =	ssyncset.done $0x0  }
0x7d: {  	p3 =	sle.u32 s5, $0x7;
	[sflag:s0] =	ssyncadd.s32 $0xFFFFC000  }
0x7e: {  	[spmem:s3] =	stream.indirect.scatter.add.f32 [tilespmem:s17], [sflag:$0xB], $0x80, s7, s29, $0xb8;
	[tilespmem:$0x1FE80] =	vst v63  }
0x7f: {  	s15 =	simm.s32 @!p3 $0x0;
	_ =	swait.ge [sflag:s30], $0x4000  }
0x80: {  	s18 =	sadd.s32 @!p3 $0x0, s19;
	s8 =	rddreg [dreg:$0x8];
	[sflag:s30] =	ssyncset.done $0x0  }
0x81: {  	s4 =	simm.s32 @!p3 $0x100;
	[sflag:s30] =	ssyncadd.s32 $0xFFFFC000;
	s8 =	sadd.s32 @!p3 $0x0, s8  }
0x82: {  	[tilespmem:s4], [sflag:$0x2] =	stream.linear.gather @!p3 [hbm4b:s8+s15], $0x80, $0x38;
	[tilespmem:$0x1FE80] =	vst v63  }
0x83: {  	s18 =	sadd.s32 @!p3 $0x9CB0, s18;
	s8 =	simm.s32 @!p3 $0x180  }
0x84: {  	[tilespmem:s8], [sflag:$0x2] =	stream.linear.gather @!p3 [hbm4b:s18+s15], $0x80, $0x38;
	[tilespmem:$0x1FE80] =	vst v63  }
0x85: {  	_ =	swait.ge [sflag:s24], $0x80  }
0x86: {  	[sflag:s24] =	ssyncset.done $0x0  }
0x87: {  	[sflag:s24] =	ssyncadd.s32 $0xFFFFFF80  }
0x88: {  	_ =	swait.ge [sflag:s24], $0x80  }
0x89: {  	[sflag:s24] =	ssyncset.done $0x0  }
0x8a: {  	[sflag:s24] =	ssyncadd.s32 $0xFFFFFF80  }
0x8b: {  	[tilespmem:s17], [sflag:$0x8] =	stream.indirect.gather [hbm4b:s2+s29], $0x80, s13, s29, $0xb8;
	[tilespmem:$0x1FE80] =	vst v63  }
0x8c: {  	_ =	swait.ge [sflag:s25], $0x4000  }
0x8d: {  	[sflag:s25] =	ssyncset.done $0x0  }
0x8e: {  	p2 =	sle.u32 s5, $0x8;
	[sflag:s25] =	ssyncadd.s32 $0xFFFFC000  }
0x8f: {  	[spmem:s3] =	stream.indirect.scatter.add.f32 [tilespmem:s20], [sflag:$0xB], $0x80, s10, s29, $0xb8;
	[tilespmem:$0x1FE80] =	vst v63  }
0x90: {  	s21 =	sadd.s32 @!p2 $0x0, s19;
	_ =	swait.ge [sflag:s30], $0x4000  }
0x91: {  	s18 =	simm.s32 @!p2 $0x0;
	s15 =	rddreg [dreg:$0x7];
	[sflag:s30] =	ssyncset.done $0x0  }
0x92: {  	s8 =	simm.s32 @!p2 $0x200;
	[sflag:s30] =	ssyncadd.s32 $0xFFFFC000;
	s15 =	sadd.s32 @!p2 $0x0, s15  }
0x93: {  	[tilespmem:s8], [sflag:$0x3] =	stream.linear.gather @!p2 [hbm4b:s15+s18], $0x80, $0x38;
	[tilespmem:$0x1FE80] =	vst v63  }
0x94: {  	s21 =	sadd.s32 @!p2 $0x9CC0, s21;
	s15 =	simm.s32 @!p2 $0x280  }
0x95: {  	[tilespmem:s15], [sflag:$0x3] =	stream.linear.gather @!p2 [hbm4b:s21+s18], $0x80, $0x38;
	[tilespmem:$0x1FE80] =	vst v63  }
0x96: {  	_ =	swait.ge [sflag:s26], $0x80  }
0x97: {  	[sflag:s26] =	ssyncset.done $0x0  }
0x98: {  	[sflag:s26] =	ssyncadd.s32 $0xFFFFFF80  }
0x99: {  	_ =	swait.ge [sflag:s26], $0x80  }
0x9a: {  	[sflag:s26] =	ssyncset.done $0x0  }
0x9b: {  	s1 =	simm.s32 $0x500;
	[sflag:s26] =	ssyncadd.s32 $0xFFFFFF80  }
0x9c: {  	[tilespmem:s20], [sflag:$0x9] =	stream.indirect.gather [hbm4b:s2+s29], $0x80, s1, s29, $0xb8;
	[tilespmem:$0x1FE80] =	vst v63  }
0x9d: {  	_ =	swait.ge [sflag:s22], $0x4000  }
0x9e: {  	[sflag:s22] =	ssyncset.done $0x0  }
0x9f: {  	[sflag:s22] =	ssyncadd.s32 $0xFFFFC000  }
0xa0: {  	[spmem:s3] =	stream.indirect.scatter.add.f32 [tilespmem:s16], [sflag:$0xB], $0x80, s12, s29, $0xb8;
	[tilespmem:$0x1FE80] =	vst v63  }
0xa1: {  	p5 =	sle.u32 s5, $0x9;
	_ =	swait.ge [sflag:s30], $0x4000  }
0xa2: {  	s18 =	simm.s32 @!p5 $0x0;
	s15 =	rddreg [dreg:$0x6];
	[sflag:s30] =	ssyncset.done $0x0  }
0xa3: {  	s21 =	simm.s32 @!p5 $0x300;
	[sflag:s30] =	ssyncadd.s32 $0xFFFFC000;
	s15 =	sadd.s32 @!p5 $0x0, s15  }
0xa4: {  	[tilespmem:s21], [sflag:$0x4] =	stream.linear.gather @!p5 [hbm4b:s15+s18], $0x80, $0x38;
	[tilespmem:$0x1FE80] =	vst v63  }
0xa5: {  	s15 =	sadd.s32 @!p5 $0x0, s19  }
0xa6: {  	s21 =	simm.s32 @!p5 $0x380;
	s15 =	sadd.s32 @!p5 $0x9CD0, s15  }
0xa7: {  	[tilespmem:s21], [sflag:$0x4] =	stream.linear.gather @!p5 [hbm4b:s15+s18], $0x80, $0x38;
	[tilespmem:$0x1FE80] =	vst v63  }
0xa8: {  	s15 =	simm.s32 @!p4 $0x1  }
0xa9: {  	_ =	swait.ge @!p4 [sflag:s15], $0x80  }
0xaa: {  	[sflag:s15] =	ssyncset.done @!p4 $0x0  }
0xab: {  	[sflag:s15] =	ssyncadd.s32 @!p4 $0xFFFFFF80  }
0xac: {  	_ =	swait.ge @!p4 [sflag:s15], $0x80  }
0xad: {  	[sflag:s15] =	ssyncset.done @!p4 $0x0  }
0xae: {  	s18 =	simm.s32 @!p4 $0x600;
	[sflag:s15] =	ssyncadd.s32 @!p4 $0xFFFFFF80  }
0xaf: {  	[tilespmem:s18], [sflag:$0x7] =	stream.indirect.gather @!p4 [hbm4b:s2+s11], $0x80, s9, s11, $0xb8;
	[tilespmem:$0x1FE80] =	vst v63  }
0xb0: {  	_ =	swait.ge [sflag:s0], $0x4000  }
0xb1: {  	[sflag:s0] =	ssyncset.done $0x0  }
0xb2: {  	p4 =	sle.u32 s5, $0xA;
	[sflag:s0] =	ssyncadd.s32 $0xFFFFC000  }
0xb3: {  	[spmem:s3] =	stream.indirect.scatter.add.f32 [tilespmem:s17], [sflag:$0xB], $0x80, s31, s29, $0xb8;
	[tilespmem:$0x1FE80] =	vst v63  }
0xb4: {  	s11 =	simm.s32 @!p4 $0x0;
	_ =	swait.ge [sflag:s30], $0x4000  }
0xb5: {  	s15 =	simm.s32 @!p4 $0x400;
	s9 =	rddreg [dreg:$0x5];
	[sflag:s30] =	ssyncset.done $0x0  }
0xb6: {  	s18 =	sadd.s32 @!p4 $0x0, s19;
	[sflag:s30] =	ssyncadd.s32 $0xFFFFC000;
	s9 =	sadd.s32 @!p4 $0x0, s9  }
0xb7: {  	[tilespmem:s15], [sflag:$0x5] =	stream.linear.gather @!p4 [hbm4b:s9+s11], $0x80, $0x38;
	[tilespmem:$0x1FE80] =	vst v63  }
0xb8: {  	s9 =	simm.s32 @!p4 $0x480;
	s15 =	sadd.s32 @!p4 $0x9CE0, s18;
	s18 =	simm.s32 @!p3 $0x2  }
0xb9: {  	[tilespmem:s9], [sflag:$0x5] =	stream.linear.gather @!p4 [hbm4b:s15+s11], $0x80, $0x38;
	[tilespmem:$0x1FE80] =	vst v63  }
0xba: {  	_ =	swait.ge @!p3 [sflag:s18], $0x80  }
0xbb: {  	[sflag:s18] =	ssyncset.done @!p3 $0x0  }
0xbc: {  	[sflag:s18] =	ssyncadd.s32 @!p3 $0xFFFFFF80  }
0xbd: {  	_ =	swait.ge @!p3 [sflag:s18], $0x80  }
0xbe: {  	[sflag:s18] =	ssyncset.done @!p3 $0x0  }
0xbf: {  	s9 =	simm.s32 @!p3 $0x80;
	s11 =	simm.s32 @!p3 $0x4600;
	[sflag:s18] =	ssyncadd.s32 @!p3 $0xFFFFFF80  }
0xc0: {  	[tilespmem:s11], [sflag:$0x8] =	stream.indirect.gather @!p3 [hbm4b:s2+s9], $0x80, s4, s9, $0xb8;
	[tilespmem:$0x1FE80] =	vst v63  }
0xc1: {  	_ =	swait.ge [sflag:s25], $0x4000  }
0xc2: {  	[sflag:s25] =	ssyncset.done $0x0  }
0xc3: {  	s6 =	simm.s32 $0x580;
	p3 =	sle.u32 s5, $0xB;
	[sflag:s25] =	ssyncadd.s32 $0xFFFFC000  }
0xc4: {  	[spmem:s3] =	stream.indirect.scatter.add.f32 [tilespmem:s20], [sflag:$0xB], $0x80, s6, s29, $0xb8;
	[tilespmem:$0x1FE80] =	vst v63  }
0xc5: {  	s9 =	simm.s32 @!p3 $0x0;
	_ =	swait.ge [sflag:s30], $0x4000  }
0xc6: {  	s11 =	simm.s32 @!p3 $0x500;
	s4 =	rddreg [dreg:$0x4];
	[sflag:s30] =	ssyncset.done $0x0  }
0xc7: {  	s15 =	sadd.s32 @!p3 $0x0, s19;
	[sflag:s30] =	ssyncadd.s32 $0xFFFFC000;
	s4 =	sadd.s32 @!p3 $0x0, s4  }
0xc8: {  	[tilespmem:s11], [sflag:$0x6] =	stream.linear.gather @!p3 [hbm4b:s4+s9], $0x80, $0x38;
	[tilespmem:$0x1FE80] =	vst v63  }
0xc9: {  	s15 =	sadd.s32 @!p3 $0x9CF0, s15;
	s11 =	simm.s32 @!p3 $0x580;
	s4 =	simm.s32 @!p2 $0x3  }
0xca: {  	[tilespmem:s11], [sflag:$0x6] =	stream.linear.gather @!p3 [hbm4b:s15+s9], $0x80, $0x38;
	[tilespmem:$0x1FE80] =	vst v63  }
0xcb: {  	_ =	swait.ge @!p2 [sflag:s4], $0x80  }
0xcc: {  	s13 =	simm.s32 $0x400;
	[sflag:s4] =	ssyncset.done @!p2 $0x0  }
0xcd: {  	s10 =	simm.s32 $0x580;
	s12 =	simm.s32 $0x380;
	[sflag:s4] =	ssyncadd.s32 @!p2 $0xFFFFFF80  }
0xce: {  	s21 =	simm.s32 @!p2 $0x8600;
	s9 =	simm.s32 $0x60;
	_ =	swait.ge @!p2 [sflag:s4], $0x80  }
0xcf: {  	s11 =	simm.s32 @!p2 $0x80;
	s15 =	simm.s32 $0xB;
	[sflag:s4] =	ssyncset.done @!p2 $0x0  }
.LBB2_2:
0xd0: {  	[sflag:s4] =	ssyncadd.s32 @!p2 $0xFFFFFF80  }
0xd1: {  	[tilespmem:s21], [sflag:$0x9] =	stream.indirect.gather @!p2 [hbm4b:s2+s11], $0x80, s8, s11, $0xb8;
	[tilespmem:$0x1FE80] =	vst v63  }
0xd2: {  	_ =	swait.ge [sflag:s22], $0x4000  }
0xd3: {  	s15 =	sadd.s32 $0x6, s15;
	[sflag:s22] =	ssyncset.done $0x0  }
0xd4: {  	s6 =	sadd.s32 $0xFFFFFFFB, s15;
	[sflag:s22] =	ssyncadd.s32 $0xFFFFC000  }
0xd5: {  	[spmem:s3] =	stream.indirect.scatter.add.f32 [tilespmem:s16], [sflag:$0xB], $0x80, s29, s29, $0xb8;
	[tilespmem:$0x1FE80] =	vst v63  }
0xd6: {  	s18 =	smov.u32 s9;
	p5 =	sge.u32 s6, s5;
	_ =	swait.ge [sflag:s30], $0x4000  }
0xd7: {  	s21 =	simm.s32 @!p5 $0x0;
	s8 =	rddreg [dreg:$0x9];
	[sflag:s30] =	ssyncset.done $0x0  }
0xd8: {  	s4 =	sadd.s32 @!p5 s18, s19;
	[sflag:s30] =	ssyncadd.s32 $0xFFFFC000;
	s8 =	sadd.s32 @!p5 s18, s8  }
0xd9: {  	[tilespmem:s21], [sflag:$0x1] =	stream.linear.gather @!p5 [hbm4b:s8+s21], $0x80, $0x38;
	[tilespmem:$0x1FE80] =	vst v63  }
0xda: {  	s11 =	sadd.s32 @!p5 $0x9CA0, s4;
	s4 =	simm.s32 @!p5 $0x80  }
0xdb: {  	[tilespmem:s4], [sflag:$0x1] =	stream.linear.gather @!p5 [hbm4b:s11+s21], $0x80, $0x38;
	[tilespmem:$0x1FE80] =	vst v63  }
0xdc: {  	_ =	swait.ge [sflag:s23], $0x80  }
0xdd: {  	[sflag:s23] =	ssyncset.done $0x0  }
0xde: {  	[sflag:s23] =	ssyncadd.s32 $0xFFFFFF80  }
0xdf: {  	_ =	swait.ge [sflag:s23], $0x80  }
0xe0: {  	[sflag:s23] =	ssyncset.done $0x0  }
0xe1: {  	[sflag:s23] =	ssyncadd.s32 $0xFFFFFF80  }
0xe2: {  	[tilespmem:s16], [sflag:$0x7] =	stream.indirect.gather [hbm4b:s2+s29], $0x80, s28, s29, $0xb8;
	[tilespmem:$0x1FE80] =	vst v63  }
0xe3: {  	_ =	swait.ge [sflag:s0], $0x4000  }
0xe4: {  	[sflag:s0] =	ssyncset.done $0x0  }
0xe5: {  	[sflag:s0] =	ssyncadd.s32 $0xFFFFC000  }
0xe6: {  	[spmem:s3] =	stream.indirect.scatter.add.f32 [tilespmem:s17], [sflag:$0xB], $0x80, s7, s29, $0xb8;
	[tilespmem:$0x1FE80] =	vst v63  }
0xe7: {  	s7 =	sadd.s32 $0xFFFFFFFC, s15;
	_ =	swait.ge [sflag:s30], $0x4000  }
0xe8: {  	p4 =	sge.u32 s7, s5;
	s28 =	rddreg [dreg:$0x8]  }
0xe9: {  	[sflag:s30] =	ssyncset.done $0x0;
	s8 =	simm.s32 @!p4 $0x0;
	s11 =	simm.s32 @!p4 $0x100  }
0xea: {  	s31 =	sadd.s32 @!p4 s18, s19;
	[sflag:s30] =	ssyncadd.s32 $0xFFFFC000;
	s28 =	sadd.s32 @!p4 s18, s28  }
0xeb: {  	[tilespmem:s11], [sflag:$0x2] =	stream.linear.gather @!p4 [hbm4b:s28+s8], $0x80, $0x38;
	[tilespmem:$0x1FE80] =	vst v63  }
0xec: {  	s1 =	simm.s32 @!p4 $0x180;
	s28 =	sadd.s32 @!p4 $0x9CB0, s31  }
0xed: {  	[tilespmem:s1], [sflag:$0x2] =	stream.linear.gather @!p4 [hbm4b:s28+s8], $0x80, $0x38;
	[tilespmem:$0x1FE80] =	vst v63  }
0xee: {  	_ =	swait.ge [sflag:s24], $0x80  }
0xef: {  	[sflag:s24] =	ssyncset.done $0x0  }
0xf0: {  	[sflag:s24] =	ssyncadd.s32 $0xFFFFFF80  }
0xf1: {  	_ =	swait.ge [sflag:s24], $0x80  }
0xf2: {  	[sflag:s24] =	ssyncset.done $0x0  }
0xf3: {  	[sflag:s24] =	ssyncadd.s32 $0xFFFFFF80  }
0xf4: {  	[tilespmem:s17], [sflag:$0x8] =	stream.indirect.gather [hbm4b:s2+s29], $0x80, s13, s29, $0xb8;
	[tilespmem:$0x1FE80] =	vst v63  }
0xf5: {  	_ =	swait.ge [sflag:s25], $0x4000  }
0xf6: {  	s6 =	sadd.s32 $0xFFFFFFFD, s15;
	[sflag:s25] =	ssyncset.done $0x0  }
0xf7: {  	p2 =	sge.u32 s6, s5;
	s8 =	simm.s32 $0x280;
	[sflag:s25] =	ssyncadd.s32 $0xFFFFC000  }
0xf8: {  	[spmem:s3] =	stream.indirect.scatter.add.f32 [tilespmem:s20], [sflag:$0xB], $0x80, s8, s29, $0xb8;
	[tilespmem:$0x1FE80] =	vst v63  }
0xf9: {  	s31 =	sadd.s32 @!p2 s18, s19;
	_ =	swait.ge [sflag:s30], $0x4000  }
0xfa: {  	s1 =	simm.s32 @!p2 $0x0;
	s28 =	rddreg [dreg:$0x7];
	[sflag:s30] =	ssyncset.done $0x0  }
0xfb: {  	s8 =	simm.s32 @!p2 $0x200;
	[sflag:s30] =	ssyncadd.s32 $0xFFFFC000;
	s28 =	sadd.s32 @!p2 s18, s28  }
0xfc: {  	[tilespmem:s8], [sflag:$0x3] =	stream.linear.gather @!p2 [hbm4b:s28+s1], $0x80, $0x38;
	[tilespmem:$0x1FE80] =	vst v63  }
0xfd: {  	s6 =	simm.s32 @!p2 $0x280;
	s28 =	sadd.s32 @!p2 $0x9CC0, s31  }
0xfe: {  	[tilespmem:s6], [sflag:$0x3] =	stream.linear.gather @!p2 [hbm4b:s28+s1], $0x80, $0x38;
	[tilespmem:$0x1FE80] =	vst v63  }
0xff: {  	_ =	swait.ge [sflag:s26], $0x80  }
0x100: {  	[sflag:s26] =	ssyncset.done $0x0  }
0x101: {  	[sflag:s26] =	ssyncadd.s32 $0xFFFFFF80  }
0x102: {  	_ =	swait.ge [sflag:s26], $0x80  }
0x103: {  	[sflag:s26] =	ssyncset.done $0x0  }
0x104: {  	[sflag:s26] =	ssyncadd.s32 $0xFFFFFF80  }
0x105: {  	[tilespmem:s20], [sflag:$0x9] =	stream.indirect.gather [hbm4b:s2+s29], $0x80, s14, s29, $0xb8;
	[tilespmem:$0x1FE80] =	vst v63  }
0x106: {  	_ =	swait.ge [sflag:s22], $0x4000  }
0x107: {  	s7 =	sadd.s32 $0xFFFFFFFE, s15;
	[sflag:s22] =	ssyncset.done $0x0  }
0x108: {  	p6 =	sge.u32 s7, s5;
	[sflag:s22] =	ssyncadd.s32 $0xFFFFC000  }
0x109: {  	[spmem:s3] =	stream.indirect.scatter.add.f32 [tilespmem:s16], [sflag:$0xB], $0x80, s12, s29, $0xb8;
	[tilespmem:$0x1FE80] =	vst v63  }
0x10a: {  	s31 =	sadd.s32 @!p6 s18, s19;
	_ =	swait.ge [sflag:s30], $0x4000  }
0x10b: {  	s1 =	simm.s32 @!p6 $0x0;
	s6 =	rddreg [dreg:$0x6];
	[sflag:s30] =	ssyncset.done $0x0  }
0x10c: {  	s28 =	simm.s32 @!p6 $0x300;
	[sflag:s30] =	ssyncadd.s32 $0xFFFFC000;
	s6 =	sadd.s32 @!p6 s18, s6  }
0x10d: {  	[tilespmem:s28], [sflag:$0x4] =	stream.linear.gather @!p6 [hbm4b:s6+s1], $0x80, $0x38;
	[tilespmem:$0x1FE80] =	vst v63  }
0x10e: {  	s7 =	simm.s32 @!p6 $0x380;
	s6 =	sadd.s32 @!p6 $0x9CD0, s31;
	s28 =	simm.s32 @!p5 $0x1  }
0x10f: {  	[tilespmem:s7], [sflag:$0x4] =	stream.linear.gather @!p6 [hbm4b:s6+s1], $0x80, $0x38;
	[tilespmem:$0x1FE80] =	vst v63  }
0x110: {  	_ =	swait.ge @!p5 [sflag:s28], $0x80  }
0x111: {  	[sflag:s28] =	ssyncset.done @!p5 $0x0  }
0x112: {  	[sflag:s28] =	ssyncadd.s32 @!p5 $0xFFFFFF80  }
0x113: {  	_ =	swait.ge @!p5 [sflag:s28], $0x80  }
0x114: {  	[sflag:s28] =	ssyncset.done @!p5 $0x0  }
0x115: {  	s1 =	simm.s32 @!p5 $0x600;
	[sflag:s28] =	ssyncadd.s32 @!p5 $0xFFFFFF80  }
0x116: {  	[tilespmem:s1], [sflag:$0x7] =	stream.indirect.gather @!p5 [hbm4b:s2+s4], $0x80, s21, s4, $0xb8;
	[tilespmem:$0x1FE80] =	vst v63  }
0x117: {  	_ =	swait.ge [sflag:s0], $0x4000  }
0x118: {  	s21 =	sadd.s32 $0xFFFFFFFF, s15;
	[sflag:s0] =	ssyncset.done $0x0  }
0x119: {  	s31 =	simm.s32 $0x480;
	p5 =	sge.u32 s21, s5;
	[sflag:s0] =	ssyncadd.s32 $0xFFFFC000  }
0x11a: {  	[spmem:s3] =	stream.indirect.scatter.add.f32 [tilespmem:s17], [sflag:$0xB], $0x80, s31, s29, $0xb8;
	[tilespmem:$0x1FE80] =	vst v63  }
0x11b: {  	s1 =	simm.s32 @!p5 $0x0;
	_ =	swait.ge [sflag:s30], $0x4000  }
0x11c: {  	s6 =	simm.s32 @!p5 $0x400;
	s4 =	rddreg [dreg:$0x5];
	[sflag:s30] =	ssyncset.done $0x0  }
0x11d: {  	s7 =	sadd.s32 @!p5 s18, s19;
	[sflag:s30] =	ssyncadd.s32 $0xFFFFC000;
	s4 =	sadd.s32 @!p5 s18, s4  }
0x11e: {  	[tilespmem:s6], [sflag:$0x5] =	stream.linear.gather @!p5 [hbm4b:s4+s1], $0x80, $0x38;
	[tilespmem:$0x1FE80] =	vst v63  }
0x11f: {  	s21 =	simm.s32 @!p5 $0x480;
	s4 =	sadd.s32 @!p5 $0x9CE0, s7;
	s6 =	simm.s32 @!p4 $0x2  }
0x120: {  	[tilespmem:s21], [sflag:$0x5] =	stream.linear.gather @!p5 [hbm4b:s4+s1], $0x80, $0x38;
	[tilespmem:$0x1FE80] =	vst v63  }
0x121: {  	_ =	swait.ge @!p4 [sflag:s6], $0x80  }
0x122: {  	[sflag:s6] =	ssyncset.done @!p4 $0x0  }
0x123: {  	[sflag:s6] =	ssyncadd.s32 @!p4 $0xFFFFFF80  }
0x124: {  	_ =	swait.ge @!p4 [sflag:s6], $0x80  }
0x125: {  	[sflag:s6] =	ssyncset.done @!p4 $0x0  }
0x126: {  	s1 =	simm.s32 @!p4 $0x80;
	s4 =	simm.s32 @!p4 $0x4600;
	[sflag:s6] =	ssyncadd.s32 @!p4 $0xFFFFFF80  }
0x127: {  	[tilespmem:s4], [sflag:$0x8] =	stream.indirect.gather @!p4 [hbm4b:s2+s1], $0x80, s11, s1, $0xb8;
	[tilespmem:$0x1FE80] =	vst v63  }
0x128: {  	_ =	swait.ge [sflag:s25], $0x4000  }
0x129: {  	[sflag:s25] =	ssyncset.done $0x0  }
0x12a: {  	s9 =	sadd.s32 $0x60, s9;
	p4 =	sge.u32 s15, s5;
	[sflag:s25] =	ssyncadd.s32 $0xFFFFC000  }
0x12b: {  	[spmem:s3] =	stream.indirect.scatter.add.f32 [tilespmem:s20], [sflag:$0xB], $0x80, s10, s29, $0xb8;
	[tilespmem:$0x1FE80] =	vst v63  }
0x12c: {  	p3 =	sne.s32 s9, $0x4E0;
	s6 =	simm.s32 @!p4 $0x0;
	_ =	swait.ge [sflag:s30], $0x4000  }
0x12d: {  	s4 =	simm.s32 @!p4 $0x500;
	s1 =	rddreg [dreg:$0x4];
	[sflag:s30] =	ssyncset.done $0x0  }
0x12e: {  	s7 =	sadd.s32 @!p4 s18, s19;
	[sflag:s30] =	ssyncadd.s32 $0xFFFFC000;
	s1 =	sadd.s32 @!p4 s18, s1  }
0x12f: {  	[tilespmem:s4], [sflag:$0x6] =	stream.linear.gather @!p4 [hbm4b:s1+s6], $0x80, $0x38;
	[tilespmem:$0x1FE80] =	vst v63  }
0x130: {  	s11 =	simm.s32 @!p4 $0x580;
	s1 =	sadd.s32 @!p4 $0x9CF0, s7;
	s4 =	simm.s32 @!p2 $0x3  }
0x131: {  	[tilespmem:s11], [sflag:$0x6] =	stream.linear.gather @!p4 [hbm4b:s1+s6], $0x80, $0x38;
	[tilespmem:$0x1FE80] =	vst v63  }
.Ltmp0:
0x132: {  	_ =	swait.ge @!p2 [sflag:s4], $0x80;
	(pc) =	sbr.rel @p3 .LBB2_2-.Ltmp0, $4  }
0x133: {  	[sflag:s4] =	ssyncset.done @!p2 $0x0  }
0x134: {  	[sflag:s4] =	ssyncadd.s32 @!p2 $0xFFFFFF80  }
0x135: {  	s28 =	simm.s32 $0x300;
	s21 =	simm.s32 @!p2 $0x8600;
	_ =	swait.ge @!p2 [sflag:s4], $0x80  }
0x136: {  	s7 =	simm.s32 $0x180;
	s11 =	simm.s32 @!p2 $0x80;
	[sflag:s4] =	ssyncset.done @!p2 $0x0  }
0x137: {  	[sflag:s4] =	ssyncadd.s32 @!p2 $0xFFFFFF80;
	s1 =	simm.s32 @!p0 $0x7  }
0x138: {  	[tilespmem:s21], [sflag:$0x9] =	stream.indirect.gather @!p2 [hbm4b:s2+s11], $0x80, s8, s11, $0xb8;
	[tilespmem:$0x1FE80] =	vst v63  }
0x139: {  	_ =	swait.ge @!p0 [sflag:s1], $0x4000  }
0x13a: {  	[sflag:s1] =	ssyncset.done @!p0 $0x0  }
0x13b: {  	s4 =	simm.s32 @!p0 $0x600;
	[sflag:s1] =	ssyncadd.s32 @!p0 $0xFFFFC000;
	s1 =	simm.s32 @!p0 $0x80  }
0x13c: {  	[spmem:s3] =	stream.indirect.scatter.add.f32 @!p0 [tilespmem:s4], [sflag:$0xB], $0x80, s1, s1, $0xb8;
	[tilespmem:$0x1FE80] =	vst v63  }
0x13d: {  	s1 =	simm.s32 @!p0 $0xB  }
0x13e: {  	_ =	swait.ge @!p0 [sflag:s1], $0x4000  }
0x13f: {  	[sflag:s1] =	ssyncset.done @!p0 $0x0  }
0x140: {  	[sflag:s1] =	ssyncadd.s32 @!p0 $0xFFFFC000  }
0x141: {  	[bflag:$0x0] =	sbarrier.arrive $0xFFFF  }
0x142: {  	s6 =	sld [smem:$0x7FC]  }
0x143: {  	s13 =	rddreg [dreg:$0xc]  }
0x144: {  	s15 =	rddreg [dreg:$0x14];
	s1 =	sor.u32 $0x1C0B, s13  }
0x145: {  	[hbm:s15], [sflag:s1] =	dma.local [spmem:s6], $0x2700  }
0x146: {  	_ =	swait.ge [sflag:s30], $0x2700  }
0x147: {  	s6 =	sld [smem:$0x7FD]  }
0x148: {  	[sflag:s30] =	ssyncset.done $0x0  }
0x149: {  	s4 =	rddreg [dreg:$0x1b];
	[sflag:s30] =	ssyncadd.s32 $0xFFFFD900  }
0x14a: {  	[hbm:s4], [sflag:s1] =	dma.local @!p1 [spmem:s6], $0x100  }
0x14b: {  	s1 =	simm.s32 @!p1 $0xB  }
0x14c: {  	_ =	swait.ge @!p1 [sflag:s1], $0x100  }
0x14d: {  	s18 =	rddreg [dreg:$0x1f]  }
0x14e: {  	s21 =	rddreg [dreg:$0x1c];
	s6 =	sadd.s32 $0x1, s18  }
0x14f: {  	p2 =	sne.s32 s6, s21  }
.Ltmp1:
0x150: {  	_ = 	snop;
	(pc) =	sbr.rel @p2 .LBB2_1-.Ltmp1, $4  }
0x151: {  	_ = 	snop  }
0x152: {  	s10 =	simm.s32 $0x280  }
0x153: {  	s12 =	simm.s32 $0x380;
	s9 =	simm.s32 $0x500;
	[sflag:s1] =	ssyncset.done @!p1 $0x0  }
0x154: {  	s11 =	simm.s32 $0x580;
	s13 =	simm.s32 $0x400;
	[sflag:s1] =	ssyncadd.s32 @!p1 $0xFFFFFF00  }
0x155: {  	_ =	sfence.sel $0x180000  }
0x156: {  	[bflag:$0x0] =	sbarrier.arrive $0xFFFF  }
0x157: {  	_ =	strace $0x90000047  }
0x158: {  	s0 =	stileid.u32;
	[bflag:$0x2] =	sbarrier.arrive $0xFFFF  }
0x159: {  	p0 =	sne.s32 s0, $0x0;
	s0 =	rddreg [dreg:$0x3]  }
0x15a: {  	s0 =	sadd.s32 @!p0 $0x100000, s0  }
0x15b: {  	[sflag:s0] =	ssyncadd.tile.s32 @!p0 $0x1;
	_ =	shalt  }
.Lfunc_end2:
_tile_overlayer_lowered:
.L_overlay_start_2:
0x15c: {  	(tag) =	ssettag $0x2  }
0x15d: {  	s0 =	rddreg [dreg:$0x0];
	s2 =	stileid.u32  }
0x15e: {  	s1 =	rddreg [dreg:$0x1];
	p0 =	sne.s32 s2, $0x0  }
0x15f: {  	s3 =	rddreg [dreg:$0x2];
	[bflag:$0x3] =	sbarrier.arrive $0xFFFF;
	s2 =	simm.s32 @!p0 $0x1C0B  }
0x160: {  	[timem:s3], [sflag:s2] =	dma.local @!p0 [hbm:s0], s1  }
0x161: {  	s0 =	simm.s32 @!p0 $0xB  }
0x162: {  	_ =	swait.ge @!p0 [sflag:s0], s1  }
0x163: {  	s1 =	ssub.s32 @!p0 $0x0, s1;
	[sflag:s0] =	ssyncset.done @!p0 $0x0  }
0x164: {  	[sflag:s0] =	ssyncadd.s32 @!p0 s1  }
0x165: {  	[bflag:$0x3] =	sbarrier.arrive $0xFFFF  }
0x166: {  	_ =	shalt  }

</sc_bundles>
